<compile_context>
chip_gen: v7x
topology: tpu7x:2x2x1
jax: 0.10.2.dev20260603
libtpu: 0.0.44.dev20260713+nightly
codegen_flags: <defaults>
</compile_context>

<pallas_src>
import functools

import jax
import jax.numpy as jnp
from jax import lax
from jax.experimental import pallas as pl
from jax.experimental.pallas import tpu as pltpu
from jax.experimental.pallas import tpu_sc as plsc

_CAT = 80
_DIM = 256
_N = 100000
_T = 0.07
_LOSS_WEIGHT = 1.0

_NC = 1
_NS = 16
_NW = _NC * _NS
_L = 16
_B = 10000
_G_TC = _N // _B

_CCH = 800
_NCH = _N // _CCH
_BASE_ITERS = _NCH // _NW
_EXTRA = _NCH - _BASE_ITERS * _NW


def _zero(ref, nwords):
    z16 = jnp.zeros((_L,), jnp.float32)
    unroll = 8

    def body(k, carry):
        for u in range(unroll):
            ref[pl.ds((k * unroll + u) * _L, _L)] = z16
        return carry

    lax.fori_loop(0, nwords // (_L * unroll), body, 0)


def _count_chunk(idx_b, cnt):
    ones16 = jnp.ones((_L,), jnp.float32)

    @plsc.parallel_loop(0, _CCH // _L)
    def group(g):
        t16 = idx_b[pl.ds(g * _L, _L)]
        for l in range(_L):
            t = t16[l]
            plsc.addupdate(cnt.at[pl.ds(t * _NS, _NS)], ones16)


def _sc_body(targets, out_c, idx0, idx1, cnt, sem_i0, sem_i1):
    cid = lax.axis_index("c")
    sid = lax.axis_index("s")
    w = sid * _NC + cid

    _zero(cnt, _CAT * _NS)

    niter = jnp.where(w < _EXTRA, _BASE_ITERS + 1, _BASE_ITERS)
    q0 = w * _BASE_ITERS + jnp.minimum(w, _EXTRA)

    @pl.when(niter > 0)
    def _():
        pltpu.async_copy(targets.at[pl.ds(q0 * _CCH, _CCH)], idx0, sem_i0)

        def body(i, carry):
            nxt = i + 1
            nbase = (q0 + nxt) * _CCH
            nxt_even = (nxt % 2) == 0
            do_next = nxt < niter

            @pl.when(do_next & nxt_even)
            def _():
                pltpu.async_copy(targets.at[pl.ds(nbase, _CCH)], idx0, sem_i0)

            @pl.when(do_next & jnp.logical_not(nxt_even))
            def _():
                pltpu.async_copy(targets.at[pl.ds(nbase, _CCH)], idx1, sem_i1)

            cur_even = (i % 2) == 0

            @pl.when(cur_even)
            def _():
                pltpu.make_async_copy(
                    targets.at[pl.ds(0, _CCH)], idx0, sem_i0).wait()
                _count_chunk(idx0, cnt)

            @pl.when(jnp.logical_not(cur_even))
            def _():
                pltpu.make_async_copy(
                    targets.at[pl.ds(0, _CCH)], idx1, sem_i1).wait()
                _count_chunk(idx1, cnt)

            return carry

        lax.fori_loop(0, niter, body, 0)

    pltpu.sync_copy(cnt, out_c.at[w])


def _tc_matmul_body(tgt_ref, feats_ref, out_s):
    k = pl.program_id(0)
    cls_iota = lax.broadcasted_iota(jnp.int32, (_CAT, _B), 0)
    oh = (tgt_ref[0] == cls_iota).astype(jnp.float32)
    part = lax.dot_general(
        oh, feats_ref[...], (((1,), (0,)), ((), ())),
        preferred_element_type=jnp.float32)

    @pl.when(k == 0)
    def _():
        out_s[...] = part

    @pl.when(k > 0)
    def _():
        out_s[...] += part


def _tc_loss_body(sums_ref, cnts_ref, protos_ref, out_ref):
    sums = sums_ref[...]
    csum = jnp.sum(cnts_ref[...], axis=0, keepdims=True)
    jj = lax.broadcasted_iota(jnp.int32, (_CAT, _CAT * _NS), 1)
    ii = lax.broadcasted_iota(jnp.int32, (_CAT, _CAT * _NS), 0)
    sel = (jj == ii * _NS).astype(jnp.float32)
    counts = lax.dot_general(
        sel, csum, (((1,), (1,)), ((), ())),
        preferred_element_type=jnp.float32)
    present = counts > 0.0

    means = sums / jnp.maximum(counts, 1.0)
    delta = jnp.where(present, means, jnp.float32(0.01))

    protos = protos_ref[...]
    v1 = protos / jnp.sqrt(jnp.sum(protos * protos, axis=1, keepdims=True))
    v2 = delta / jnp.sqrt(jnp.sum(delta * delta, axis=1, keepdims=True))

    logits = lax.dot_general(
        v1, v2, (((1,), (1,)), ((), ())),
        preferred_element_type=jnp.float32) / _T
    p = jax.nn.sigmoid(logits)
    logp = jnp.maximum(jnp.log(p), -100.0)
    log1mp = jnp.maximum(jnp.log(1.0 - p), -100.0)

    r = lax.broadcasted_iota(jnp.int32, (_CAT, _CAT), 0)
    c = lax.broadcasted_iota(jnp.int32, (_CAT, _CAT), 1)
    eye = r == c
    lossm = jnp.where(eye, -logp, -log1mp)

    n_present = jnp.sum(present.astype(jnp.float32))
    diag_scale = 1.0 / (2.0 * n_present)
    off_scale = 1.0 / (2.0 * n_present * (_CAT - 1))
    scaled = jnp.where(eye, lossm * diag_scale, lossm * off_scale)

    col_sum = jnp.sum(scaled, axis=0)
    present_cols = (counts[:, 0] > 0.0).astype(jnp.float32)
    total = jnp.sum(col_sum * present_cols) * _LOSS_WEIGHT
    out_ref[...] = total * jnp.ones((1, 1), jnp.float32)


@jax.jit
def kernel(cls_feats, cls_targets, prototypes):
    mesh = plsc.VectorSubcoreMesh(
        core_axis_name="c", subcore_axis_name="s", num_cores=_NC)
    sc_call = pl.kernel(
        _sc_body,
        out_type=jax.ShapeDtypeStruct((_NW, _CAT * _NS), jnp.float32),
        mesh=mesh,
        scratch_types=[
            pltpu.VMEM((_CCH,), jnp.int32),
            pltpu.VMEM((_CCH,), jnp.int32),
            pltpu.VMEM((_CAT * _NS,), jnp.float32),
            pltpu.SemaphoreType.DMA,
            pltpu.SemaphoreType.DMA,
        ],
        compiler_params=pltpu.CompilerParams(needs_layout_passes=False),
    )
    part_cnts = sc_call(cls_targets)

    tgt2d = jnp.reshape(cls_targets, (_N // _B, 1, _B))
    tc_sums = pl.pallas_call(
        _tc_matmul_body,
        grid=(_G_TC,),
        in_specs=[
            pl.BlockSpec((1, 1, _B), lambda k: (k, 0, 0)),
            pl.BlockSpec((_B, _DIM), lambda k: (k, 0)),
        ],
        out_specs=pl.BlockSpec((_CAT, _DIM), lambda k: (0, 0)),
        out_shape=jax.ShapeDtypeStruct((_CAT, _DIM), jnp.float32),
    )(tgt2d, cls_feats)

    loss = pl.pallas_call(
        _tc_loss_body,
        out_shape=jax.ShapeDtypeStruct((1, 1), jnp.float32),
    )(tc_sums, part_cnts, prototypes)
    return loss[0, 0]

# --- scband reference (transcript-rebuilt; emitter-appended) ---
"""Pipeline reference for scband-fcosprototype-8967891714143 (READ-ONLY COPY).

The authoritative reference and input builder live on the scoring server;
editing this copy changes nothing except your own understanding.
"""

import jax
import jax.numpy as jnp
import numpy as np

CAT_NUMS = 80
DIM = 256
T = 0.07
LOSS_WEIGHT = 1.0
N = 100000


def setup_inputs(seed: int = 0) -> dict:
    key = jax.random.key(seed)
    k1, k2 = jax.random.split(key)
    cls_feats = jax.random.normal(k1, (N, DIM), dtype=jnp.float32)
    cls_targets = jax.random.randint(k2, (N,), 0, CAT_NUMS, dtype=jnp.int32)
    # learned parameter: prototypes, initialized as in __init__
    prototypes = jnp.ones((CAT_NUMS, DIM), dtype=jnp.float32) * 0.01
    return {"cls_feats": cls_feats, "cls_targets": cls_targets, "prototypes": prototypes}


def reference(cls_feats, cls_targets, prototypes):
    # --- update_mem_bank + delta_prototype computation (detached in torch) ---
    feats = jax.lax.stop_gradient(cls_feats)
    counts = jnp.bincount(cls_targets, length=CAT_NUMS)
    sums = jax.ops.segment_sum(feats, cls_targets, num_segments=CAT_NUMS)
    present = counts > 0
    means = sums / jnp.maximum(counts, 1).astype(jnp.float32)[:, None]
    delta_init = jnp.ones((CAT_NUMS, DIM), dtype=jnp.float32) * 0.01
    delta_prototype = jnp.where(present[:, None], means, delta_init)
    delta_prototype = jax.lax.stop_gradient(delta_prototype)

    # --- InfoNCELoss: cosine sim / t, sigmoid, BCE vs identity labels ---
    v1 = prototypes / jnp.linalg.norm(prototypes, axis=-1, keepdims=True)
    v2 = delta_prototype / jnp.linalg.norm(delta_prototype, axis=-1, keepdims=True)
    sim_logits = (v1 @ v2.T) / T
    p = jax.nn.sigmoid(sim_logits)
    labels = jnp.eye(CAT_NUMS, dtype=jnp.float32)
    # torch F.binary_cross_entropy clamps log terms at -100
    logp = jnp.clip(jnp.log(p), -100.0, None)
    log1mp = jnp.clip(jnp.log(1.0 - p), -100.0, None)
    loss = -(labels * logp + (1.0 - labels) * log1mp)

    n_present = jnp.sum(present).astype(jnp.float32)
    eye_mask = jnp.eye(CAT_NUMS, dtype=bool)
    diag_scale = 1.0 / (2.0 * n_present)
    off_scale = 1.0 / (2.0 * n_present * (CAT_NUMS - 1))
    loss = jnp.where(eye_mask, loss * diag_scale, loss * off_scale)
    # loss[:, not_None_idx].sum() -> mask columns by presence
    loss = jnp.sum(loss * present[None, :].astype(jnp.float32))
    return loss * LOSS_WEIGHT

if __name__ == "__main__":
    import jax
    _d = setup_inputs()
    print(jax.jit(kernel)(*tuple(_d.values())))

</pallas_src>

<mosaic_0001>
#map = affine_map<(d0, d1) -> (0)>
#map1 = affine_map<(d0, d1) -> (0, 0)>
module attributes {stable_mosaic.version = 14 : i64} {
  func.func @_sc_body(%arg0: i32, %arg1: i32, %arg2: memref<100000xi32, #tpu.memory_space<hbm>>, %arg3: memref<16x1280xf32, #tpu.memory_space<hbm>>, %arg4: memref<800xi32, #tpu.memory_space<vmem>>, %arg5: memref<800xi32, #tpu.memory_space<vmem>>, %arg6: memref<1280xf32, #tpu.memory_space<vmem>>, %arg7: memref<!tpu.dma_semaphore, #tpu.memory_space<semaphore_mem>>, %arg8: memref<!tpu.dma_semaphore, #tpu.memory_space<semaphore_mem>>) attributes {dimension_semantics = [#tpu.dimension_semantics<core_parallel>, #tpu.dimension_semantics<subcore_parallel>], iteration_bounds = array<i64: 1, 16>, scalar_prefetch = 0 : i64, scratch_operands = 5 : i64, tpu.core_type = #tpu.core_type<sc_vector_subcore>, window_params = [{transform_indices = #map}, {transform_indices = #map1}]} {
    %mul3A = arith.constant 1 : i32
    %mul3A_0 = arith.muli %arg1, %mul3A : i32
    %add3A = arith.addi %mul3A_0, %arg0 : i32
    %broadcast_in_dim3A = arith.constant 0.000000e+00 : f32
    %broadcast_in_dim3A_1 = vector.broadcast %broadcast_in_dim3A : f32 to vector<16xf32>
    %scan3A = arith.constant 0 : i32
    %scan3A_2 = arith.constant 0 : i32
    %scan3A_3 = arith.constant 10 : i32
    %scan3A_4 = arith.addi %scan3A_2, %scan3A_3 : i32
    %scan3A_5 = arith.constant 1 : i32
    scf.for %scan3A_15 = %scan3A_2 to %scan3A_4 step %scan3A_5  : i32 {
      %mul3A_16 = arith.constant 8 : i32
      %mul3A_17 = arith.muli %scan3A_15, %mul3A_16 : i32
      %add3A_18 = arith.constant 0 : i32
      %add3A_19 = arith.addi %mul3A_17, %add3A_18 : i32
      %mul3A_20 = arith.constant 16 : i32
      %mul3A_21 = arith.muli %add3A_19, %mul3A_20 : i32
      %swap3A = arith.index_cast %mul3A_21 : i32 to index
      %swap3A_22 = tpu.vector_load %arg6[%swap3A] {strides = array<i32>} : memref<1280xf32, #tpu.memory_space<vmem>>, vector<16xf32>,
      tpu.vector_store %arg6[%swap3A], %broadcast_in_dim3A_1 {strides = array<i32>} : memref<1280xf32, #tpu.memory_space<vmem>>, vector<16xf32>,
      %mul3A_23 = arith.constant 8 : i32
      %mul3A_24 = arith.muli %scan3A_15, %mul3A_23 : i32
      %add3A_25 = arith.constant 1 : i32
      %add3A_26 = arith.addi %mul3A_24, %add3A_25 : i32
      %mul3A_27 = arith.constant 16 : i32
      %mul3A_28 = arith.muli %add3A_26, %mul3A_27 : i32
      %swap3A_29 = arith.index_cast %mul3A_28 : i32 to index
      %swap3A_30 = tpu.vector_load %arg6[%swap3A_29] {strides = array<i32>} : memref<1280xf32, #tpu.memory_space<vmem>>, vector<16xf32>,
      tpu.vector_store %arg6[%swap3A_29], %broadcast_in_dim3A_1 {strides = array<i32>} : memref<1280xf32, #tpu.memory_space<vmem>>, vector<16xf32>,
      %mul3A_31 = arith.constant 8 : i32
      %mul3A_32 = arith.muli %scan3A_15, %mul3A_31 : i32
      %add3A_33 = arith.constant 2 : i32
      %add3A_34 = arith.addi %mul3A_32, %add3A_33 : i32
      %mul3A_35 = arith.constant 16 : i32
      %mul3A_36 = arith.muli %add3A_34, %mul3A_35 : i32
      %swap3A_37 = arith.index_cast %mul3A_36 : i32 to index
      %swap3A_38 = tpu.vector_load %arg6[%swap3A_37] {strides = array<i32>} : memref<1280xf32, #tpu.memory_space<vmem>>, vector<16xf32>,
      tpu.vector_store %arg6[%swap3A_37], %broadcast_in_dim3A_1 {strides = array<i32>} : memref<1280xf32, #tpu.memory_space<vmem>>, vector<16xf32>,
      %mul3A_39 = arith.constant 8 : i32
      %mul3A_40 = arith.muli %scan3A_15, %mul3A_39 : i32
      %add3A_41 = arith.constant 3 : i32
      %add3A_42 = arith.addi %mul3A_40, %add3A_41 : i32
      %mul3A_43 = arith.constant 16 : i32
      %mul3A_44 = arith.muli %add3A_42, %mul3A_43 : i32
      %swap3A_45 = arith.index_cast %mul3A_44 : i32 to index
      %swap3A_46 = tpu.vector_load %arg6[%swap3A_45] {strides = array<i32>} : memref<1280xf32, #tpu.memory_space<vmem>>, vector<16xf32>,
      tpu.vector_store %arg6[%swap3A_45], %broadcast_in_dim3A_1 {strides = array<i32>} : memref<1280xf32, #tpu.memory_space<vmem>>, vector<16xf32>,
      %mul3A_47 = arith.constant 8 : i32
      %mul3A_48 = arith.muli %scan3A_15, %mul3A_47 : i32
      %add3A_49 = arith.constant 4 : i32
      %add3A_50 = arith.addi %mul3A_48, %add3A_49 : i32
      %mul3A_51 = arith.constant 16 : i32
      %mul3A_52 = arith.muli %add3A_50, %mul3A_51 : i32
      %swap3A_53 = arith.index_cast %mul3A_52 : i32 to index
      %swap3A_54 = tpu.vector_load %arg6[%swap3A_53] {strides = array<i32>} : memref<1280xf32, #tpu.memory_space<vmem>>, vector<16xf32>,
      tpu.vector_store %arg6[%swap3A_53], %broadcast_in_dim3A_1 {strides = array<i32>} : memref<1280xf32, #tpu.memory_space<vmem>>, vector<16xf32>,
      %mul3A_55 = arith.constant 8 : i32
      %mul3A_56 = arith.muli %scan3A_15, %mul3A_55 : i32
      %add3A_57 = arith.constant 5 : i32
      %add3A_58 = arith.addi %mul3A_56, %add3A_57 : i32
      %mul3A_59 = arith.constant 16 : i32
      %mul3A_60 = arith.muli %add3A_58, %mul3A_59 : i32
      %swap3A_61 = arith.index_cast %mul3A_60 : i32 to index
      %swap3A_62 = tpu.vector_load %arg6[%swap3A_61] {strides = array<i32>} : memref<1280xf32, #tpu.memory_space<vmem>>, vector<16xf32>,
      tpu.vector_store %arg6[%swap3A_61], %broadcast_in_dim3A_1 {strides = array<i32>} : memref<1280xf32, #tpu.memory_space<vmem>>, vector<16xf32>,
      %mul3A_63 = arith.constant 8 : i32
      %mul3A_64 = arith.muli %scan3A_15, %mul3A_63 : i32
      %add3A_65 = arith.constant 6 : i32
      %add3A_66 = arith.addi %mul3A_64, %add3A_65 : i32
      %mul3A_67 = arith.constant 16 : i32
      %mul3A_68 = arith.muli %add3A_66, %mul3A_67 : i32
      %swap3A_69 = arith.index_cast %mul3A_68 : i32 to index
      %swap3A_70 = tpu.vector_load %arg6[%swap3A_69] {strides = array<i32>} : memref<1280xf32, #tpu.memory_space<vmem>>, vector<16xf32>,
      tpu.vector_store %arg6[%swap3A_69], %broadcast_in_dim3A_1 {strides = array<i32>} : memref<1280xf32, #tpu.memory_space<vmem>>, vector<16xf32>,
      %mul3A_71 = arith.constant 8 : i32
      %mul3A_72 = arith.muli %scan3A_15, %mul3A_71 : i32
      %add3A_73 = arith.constant 7 : i32
      %add3A_74 = arith.addi %mul3A_72, %add3A_73 : i32
      %mul3A_75 = arith.constant 16 : i32
      %mul3A_76 = arith.muli %add3A_74, %mul3A_75 : i32
      %swap3A_77 = arith.index_cast %mul3A_76 : i32 to index
      %swap3A_78 = tpu.vector_load %arg6[%swap3A_77] {strides = array<i32>} : memref<1280xf32, #tpu.memory_space<vmem>>, vector<16xf32>,
      tpu.vector_store %arg6[%swap3A_77], %broadcast_in_dim3A_1 {strides = array<i32>} : memref<1280xf32, #tpu.memory_space<vmem>>, vector<16xf32>,
    }
    %scan3A_6 = arith.constant 10 : i32
    %lt3A = arith.constant 13 : i32
    %lt3A_7 = arith.cmpi slt, %add3A, %lt3A : i32
    %jit3A = arith.constant 8 : i32
    %jit3A_8 = arith.constant 7 : i32
    %select_n3A = arith.select %lt3A_7, %jit3A, %jit3A_8 : i32
    %mul3A_9 = arith.constant 7 : i32
    %mul3A_10 = arith.muli %add3A, %mul3A_9 : i32
    %min3A = arith.constant 13 : i32
    %min3A_11 = arith.minsi %add3A, %min3A : i32
    %add3A_12 = arith.addi %mul3A_10, %min3A_11 : i32
    %gt3A = arith.constant 0 : i32
    %gt3A_13 = arith.cmpi sgt, %select_n3A, %gt3A : i32
    %convert_element_type3A = arith.extui %gt3A_13 : i1 to i32
    %cond3A = arith.constant 0 : i32
    %cond3A_14 = arith.cmpi ne, %convert_element_type3A, %cond3A : i32
    scf.if %cond3A_14 {
      %mul3A_15 = arith.constant 800 : i32
      %mul3A_16 = arith.muli %add3A_12, %mul3A_15 : i32
      %dma_start3A = tpu.memref_slice %arg2[%mul3A_16] : memref<100000xi32, #tpu.memory_space<hbm>> -> memref<800xi32, #tpu.memory_space<hbm>>
      %dma_start3A_17 = tpu.memref_slice %arg2[%mul3A_16] : memref<100000xi32, #tpu.memory_space<hbm>> -> memref<800xi32, #tpu.memory_space<hbm>>
      tpu.enqueue_dma source(%dma_start3A_17 : memref<800xi32, #tpu.memory_space<hbm>>) target(%arg4 : memref<800xi32, #tpu.memory_space<vmem>>) target_semaphore(%arg7 : memref<!tpu.dma_semaphore, #tpu.memory_space<semaphore_mem>>)
      %while3A = arith.constant 0 : i32
      %while3A_18 = arith.constant 0 : i32
      %while3A_19 = arith.subi %select_n3A, %while3A_18 : i32
      %while3A_20 = arith.addi %while3A_18, %while3A_19 : i32
      %while3A_21 = arith.constant 1 : i32
      %while3A_22 = arith.divsi %while3A_19, %while3A_21 : i32
      %while3A_23 = arith.muli %while3A_22, %while3A_21 : i32
      %while3A_24 = arith.addi %while3A_18, %while3A_23 : i32
      %while3A_25 = arith.constant 1 : i32
      scf.for %while3A_27 = %while3A_18 to %while3A_24 step %while3A_25  : i32 {
        %add3A_28 = arith.constant 1 : i32
        %add3A_29 = arith.addi %while3A_27, %add3A_28 : i32
        %add3A_30 = arith.addi %add3A_12, %add3A_29 : i32
        %mul3A_31 = arith.constant 800 : i32
        %mul3A_32 = arith.muli %add3A_30, %mul3A_31 : i32
        %jit3A_33 = arith.constant 2 : i32
        %eq3A = arith.constant 0 : i32
        %eq3A_34 = arith.cmpi eq, %jit3A_33, %eq3A : i32
        %jit3A_35 = arith.constant 1 : i32
        %select_n3A_36 = arith.select %eq3A_34, %jit3A_35, %jit3A_33 : i32
        %rem3A = arith.remsi %add3A_29, %select_n3A_36 : i32
        %ne3A = arith.constant 0 : i32
        %ne3A_37 = arith.cmpi ne, %rem3A, %ne3A : i32
        %lt3A_38 = arith.constant 0 : i32
        %lt3A_39 = arith.cmpi slt, %rem3A, %lt3A_38 : i32
        %lt3A_40 = arith.constant 0 : i32
        %lt3A_41 = arith.cmpi slt, %select_n3A_36, %lt3A_40 : i32
        %ne3A_42 = arith.xori %lt3A_39, %lt3A_41 : i1
        %and3A = arith.andi %ne3A_42, %ne3A_37 : i1
        %add3A_43 = arith.addi %rem3A, %select_n3A_36 : i32
        %select_n3A_44 = arith.select %and3A, %add3A_43, %rem3A : i32
        %eq3A_45 = arith.constant 0 : i32
        %eq3A_46 = arith.cmpi eq, %select_n3A_44, %eq3A_45 : i32
        %lt3A_47 = arith.cmpi slt, %add3A_29, %select_n3A : i32
        %and3A_48 = arith.andi %lt3A_47, %eq3A_46 : i1
        %convert_element_type3A_49 = arith.extui %and3A_48 : i1 to i32
        %cond3A_50 = arith.constant 0 : i32
        %cond3A_51 = arith.cmpi ne, %convert_element_type3A_49, %cond3A_50 : i32
        scf.if %cond3A_51 {
          %dma_start3A_83 = tpu.memref_slice %arg2[%mul3A_32] : memref<100000xi32, #tpu.memory_space<hbm>> -> memref<800xi32, #tpu.memory_space<hbm>>
          %dma_start3A_84 = tpu.memref_slice %arg2[%mul3A_32] : memref<100000xi32, #tpu.memory_space<hbm>> -> memref<800xi32, #tpu.memory_space<hbm>>
          tpu.enqueue_dma source(%dma_start3A_84 : memref<800xi32, #tpu.memory_space<hbm>>) target(%arg4 : memref<800xi32, #tpu.memory_space<vmem>>) target_semaphore(%arg7 : memref<!tpu.dma_semaphore, #tpu.memory_space<semaphore_mem>>)
        } else {
        }
        %not3A = arith.constant true
        %not3A_52 = arith.xori %eq3A_46, %not3A : i1
        %and3A_53 = arith.andi %lt3A_47, %not3A_52 : i1
        %convert_element_type3A_54 = arith.extui %and3A_53 : i1 to i32
        %cond3A_55 = arith.constant 0 : i32
        %cond3A_56 = arith.cmpi ne, %convert_element_type3A_54, %cond3A_55 : i32
        scf.if %cond3A_56 {
          %dma_start3A_83 = tpu.memref_slice %arg2[%mul3A_32] : memref<100000xi32, #tpu.memory_space<hbm>> -> memref<800xi32, #tpu.memory_space<hbm>>
          %dma_start3A_84 = tpu.memref_slice %arg2[%mul3A_32] : memref<100000xi32, #tpu.memory_space<hbm>> -> memref<800xi32, #tpu.memory_space<hbm>>
          tpu.enqueue_dma source(%dma_start3A_84 : memref<800xi32, #tpu.memory_space<hbm>>) target(%arg5 : memref<800xi32, #tpu.memory_space<vmem>>) target_semaphore(%arg8 : memref<!tpu.dma_semaphore, #tpu.memory_space<semaphore_mem>>)
        } else {
        }
        %jit3A_57 = arith.constant 2 : i32
        %eq3A_58 = arith.constant 0 : i32
        %eq3A_59 = arith.cmpi eq, %jit3A_57, %eq3A_58 : i32
        %jit3A_60 = arith.constant 1 : i32
        %select_n3A_61 = arith.select %eq3A_59, %jit3A_60, %jit3A_57 : i32
        %rem3A_62 = arith.remsi %while3A_27, %select_n3A_61 : i32
        %ne3A_63 = arith.constant 0 : i32
        %ne3A_64 = arith.cmpi ne, %rem3A_62, %ne3A_63 : i32
        %lt3A_65 = arith.constant 0 : i32
        %lt3A_66 = arith.cmpi slt, %rem3A_62, %lt3A_65 : i32
        %lt3A_67 = arith.constant 0 : i32
        %lt3A_68 = arith.cmpi slt, %select_n3A_61, %lt3A_67 : i32
        %ne3A_69 = arith.xori %lt3A_66, %lt3A_68 : i1
        %and3A_70 = arith.andi %ne3A_69, %ne3A_64 : i1
        %add3A_71 = arith.addi %rem3A_62, %select_n3A_61 : i32
        %select_n3A_72 = arith.select %and3A_70, %add3A_71, %rem3A_62 : i32
        %eq3A_73 = arith.constant 0 : i32
        %eq3A_74 = arith.cmpi eq, %select_n3A_72, %eq3A_73 : i32
        %convert_element_type3A_75 = arith.extui %eq3A_74 : i1 to i32
        %cond3A_76 = arith.constant 0 : i32
        %cond3A_77 = arith.cmpi ne, %convert_element_type3A_75, %cond3A_76 : i32
        scf.if %cond3A_77 {
          %dma_wait3A = arith.constant 0 : i32
          %dma_wait3A_83 = tpu.memref_slice %arg2[%dma_wait3A] : memref<100000xi32, #tpu.memory_space<hbm>> -> memref<800xi32, #tpu.memory_space<hbm>>
          %dma_wait3A_84 = arith.constant 0 : i32
          %dma_wait3A_85 = tpu.memref_slice %arg2[%dma_wait3A_84] : memref<100000xi32, #tpu.memory_space<hbm>> -> memref<800xi32, #tpu.memory_space<hbm>>
          tpu.wait_dma2 semaphore(%arg7 : memref<!tpu.dma_semaphore, #tpu.memory_space<semaphore_mem>>) src(%dma_wait3A_85 : memref<800xi32, #tpu.memory_space<hbm>>) dst(%arg4 : memref<800xi32, #tpu.memory_space<vmem>>)
          %broadcast_in_dim3A_86 = arith.constant 1.000000e+00 : f32
          %broadcast_in_dim3A_87 = vector.broadcast %broadcast_in_dim3A_86 : f32 to vector<16xf32>
          %parallel_loop3A = arith.constant 0 : i32
          %parallel_loop3A_88 = arith.constant 50 : i32
          %parallel_loop3A_89 = arith.constant 1 : i32
          scf.for %parallel_loop3A_90 = %parallel_loop3A to %parallel_loop3A_88 step %parallel_loop3A_89  : i32 {
            %parallel_loop3A_91 = arith.constant 16 : i32
            %parallel_loop3A_92 = arith.muli %parallel_loop3A_90, %parallel_loop3A_91 : i32
            %parallel_loop3A_93 = arith.index_cast %parallel_loop3A_92 : i32 to index
            %parallel_loop3A_94 = tpu.vector_load %arg4[%parallel_loop3A_93] {strides = array<i32>} : memref<800xi32, #tpu.memory_space<vmem>>, vector<16xi32>,
            %parallel_loop3A_95 = vector.extract_strided_slice %parallel_loop3A_94 {offsets = [0], sizes = [1], strides = [1]} : vector<16xi32> to vector<1xi32>
            %parallel_loop3A_96 = vector.extract %parallel_loop3A_95[0] : i32 from vector<1xi32>
            %parallel_loop3A_97 = arith.constant 16 : i32
            %parallel_loop3A_98 = arith.muli %parallel_loop3A_96, %parallel_loop3A_97 : i32
            %parallel_loop3A_99 = arith.index_cast %parallel_loop3A_98 : i32 to index
            %parallel_loop3A_100 = tpu.vector_load %arg6[%parallel_loop3A_99] {strides = array<i32>} : memref<1280xf32, #tpu.memory_space<vmem>>, vector<16xf32>,
            tpu.vector_store %arg6[%parallel_loop3A_99], %broadcast_in_dim3A_87 {add = true, strides = array<i32>} : memref<1280xf32, #tpu.memory_space<vmem>>, vector<16xf32>,
            %parallel_loop3A_101 = vector.extract_strided_slice %parallel_loop3A_94 {offsets = [1], sizes = [1], strides = [1]} : vector<16xi32> to vector<1xi32>
            %parallel_loop3A_102 = vector.extract %parallel_loop3A_101[0] : i32 from vector<1xi32>
            %parallel_loop3A_103 = arith.constant 16 : i32
            %parallel_loop3A_104 = arith.muli %parallel_loop3A_102, %parallel_loop3A_103 : i32
            %parallel_loop3A_105 = arith.index_cast %parallel_loop3A_104 : i32 to index
            %parallel_loop3A_106 = tpu.vector_load %arg6[%parallel_loop3A_105] {strides = array<i32>} : memref<1280xf32, #tpu.memory_space<vmem>>, vector<16xf32>,
            tpu.vector_store %arg6[%parallel_loop3A_105], %broadcast_in_dim3A_87 {add = true, strides = array<i32>} : memref<1280xf32, #tpu.memory_space<vmem>>, vector<16xf32>,
            %parallel_loop3A_107 = vector.extract_strided_slice %parallel_loop3A_94 {offsets = [2], sizes = [1], strides = [1]} : vector<16xi32> to vector<1xi32>
            %parallel_loop3A_108 = vector.extract %parallel_loop3A_107[0] : i32 from vector<1xi32>
            %parallel_loop3A_109 = arith.constant 16 : i32
            %parallel_loop3A_110 = arith.muli %parallel_loop3A_108, %parallel_loop3A_109 : i32
            %parallel_loop3A_111 = arith.index_cast %parallel_loop3A_110 : i32 to index
            %parallel_loop3A_112 = tpu.vector_load %arg6[%parallel_loop3A_111] {strides = array<i32>} : memref<1280xf32, #tpu.memory_space<vmem>>, vector<16xf32>,
            tpu.vector_store %arg6[%parallel_loop3A_111], %broadcast_in_dim3A_87 {add = true, strides = array<i32>} : memref<1280xf32, #tpu.memory_space<vmem>>, vector<16xf32>,
            %parallel_loop3A_113 = vector.extract_strided_slice %parallel_loop3A_94 {offsets = [3], sizes = [1], strides = [1]} : vector<16xi32> to vector<1xi32>
            %parallel_loop3A_114 = vector.extract %parallel_loop3A_113[0] : i32 from vector<1xi32>
            %parallel_loop3A_115 = arith.constant 16 : i32
            %parallel_loop3A_116 = arith.muli %parallel_loop3A_114, %parallel_loop3A_115 : i32
            %parallel_loop3A_117 = arith.index_cast %parallel_loop3A_116 : i32 to index
            %parallel_loop3A_118 = tpu.vector_load %arg6[%parallel_loop3A_117] {strides = array<i32>} : memref<1280xf32, #tpu.memory_space<vmem>>, vector<16xf32>,
            tpu.vector_store %arg6[%parallel_loop3A_117], %broadcast_in_dim3A_87 {add = true, strides = array<i32>} : memref<1280xf32, #tpu.memory_space<vmem>>, vector<16xf32>,
            %parallel_loop3A_119 = vector.extract_strided_slice %parallel_loop3A_94 {offsets = [4], sizes = [1], strides = [1]} : vector<16xi32> to vector<1xi32>
            %parallel_loop3A_120 = vector.extract %parallel_loop3A_119[0] : i32 from vector<1xi32>
            %parallel_loop3A_121 = arith.constant 16 : i32
            %parallel_loop3A_122 = arith.muli %parallel_loop3A_120, %parallel_loop3A_121 : i32
            %parallel_loop3A_123 = arith.index_cast %parallel_loop3A_122 : i32 to index
            %parallel_loop3A_124 = tpu.vector_load %arg6[%parallel_loop3A_123] {strides = array<i32>} : memref<1280xf32, #tpu.memory_space<vmem>>, vector<16xf32>,
            tpu.vector_store %arg6[%parallel_loop3A_123], %broadcast_in_dim3A_87 {add = true, strides = array<i32>} : memref<1280xf32, #tpu.memory_space<vmem>>, vector<16xf32>,
            %parallel_loop3A_125 = vector.extract_strided_slice %parallel_loop3A_94 {offsets = [5], sizes = [1], strides = [1]} : vector<16xi32> to vector<1xi32>
            %parallel_loop3A_126 = vector.extract %parallel_loop3A_125[0] : i32 from vector<1xi32>
            %parallel_loop3A_127 = arith.constant 16 : i32
            %parallel_loop3A_128 = arith.muli %parallel_loop3A_126, %parallel_loop3A_127 : i32
            %parallel_loop3A_129 = arith.index_cast %parallel_loop3A_128 : i32 to index
            %parallel_loop3A_130 = tpu.vector_load %arg6[%parallel_loop3A_129] {strides = array<i32>} : memref<1280xf32, #tpu.memory_space<vmem>>, vector<16xf32>,
            tpu.vector_store %arg6[%parallel_loop3A_129], %broadcast_in_dim3A_87 {add = true, strides = array<i32>} : memref<1280xf32, #tpu.memory_space<vmem>>, vector<16xf32>,
            %parallel_loop3A_131 = vector.extract_strided_slice %parallel_loop3A_94 {offsets = [6], sizes = [1], strides = [1]} : vector<16xi32> to vector<1xi32>
            %parallel_loop3A_132 = vector.extract %parallel_loop3A_131[0] : i32 from vector<1xi32>
            %parallel_loop3A_133 = arith.constant 16 : i32
            %parallel_loop3A_134 = arith.muli %parallel_loop3A_132, %parallel_loop3A_133 : i32
            %parallel_loop3A_135 = arith.index_cast %parallel_loop3A_134 : i32 to index
            %parallel_loop3A_136 = tpu.vector_load %arg6[%parallel_loop3A_135] {strides = array<i32>} : memref<1280xf32, #tpu.memory_space<vmem>>, vector<16xf32>,
            tpu.vector_store %arg6[%parallel_loop3A_135], %broadcast_in_dim3A_87 {add = true, strides = array<i32>} : memref<1280xf32, #tpu.memory_space<vmem>>, vector<16xf32>,
            %parallel_loop3A_137 = vector.extract_strided_slice %parallel_loop3A_94 {offsets = [7], sizes = [1], strides = [1]} : vector<16xi32> to vector<1xi32>
            %parallel_loop3A_138 = vector.extract %parallel_loop3A_137[0] : i32 from vector<1xi32>
            %parallel_loop3A_139 = arith.constant 16 : i32
            %parallel_loop3A_140 = arith.muli %parallel_loop3A_138, %parallel_loop3A_139 : i32
            %parallel_loop3A_141 = arith.index_cast %parallel_loop3A_140 : i32 to index
            %parallel_loop3A_142 = tpu.vector_load %arg6[%parallel_loop3A_141] {strides = array<i32>} : memref<1280xf32, #tpu.memory_space<vmem>>, vector<16xf32>,
            tpu.vector_store %arg6[%parallel_loop3A_141], %broadcast_in_dim3A_87 {add = true, strides = array<i32>} : memref<1280xf32, #tpu.memory_space<vmem>>, vector<16xf32>,
            %parallel_loop3A_143 = vector.extract_strided_slice %parallel_loop3A_94 {offsets = [8], sizes = [1], strides = [1]} : vector<16xi32> to vector<1xi32>
            %parallel_loop3A_144 = vector.extract %parallel_loop3A_143[0] : i32 from vector<1xi32>
            %parallel_loop3A_145 = arith.constant 16 : i32
            %parallel_loop3A_146 = arith.muli %parallel_loop3A_144, %parallel_loop3A_145 : i32
            %parallel_loop3A_147 = arith.index_cast %parallel_loop3A_146 : i32 to index
            %parallel_loop3A_148 = tpu.vector_load %arg6[%parallel_loop3A_147] {strides = array<i32>} : memref<1280xf32, #tpu.memory_space<vmem>>, vector<16xf32>,
            tpu.vector_store %arg6[%parallel_loop3A_147], %broadcast_in_dim3A_87 {add = true, strides = array<i32>} : memref<1280xf32, #tpu.memory_space<vmem>>, vector<16xf32>,
            %parallel_loop3A_149 = vector.extract_strided_slice %parallel_loop3A_94 {offsets = [9], sizes = [1], strides = [1]} : vector<16xi32> to vector<1xi32>
            %parallel_loop3A_150 = vector.extract %parallel_loop3A_149[0] : i32 from vector<1xi32>
            %parallel_loop3A_151 = arith.constant 16 : i32
            %parallel_loop3A_152 = arith.muli %parallel_loop3A_150, %parallel_loop3A_151 : i32
            %parallel_loop3A_153 = arith.index_cast %parallel_loop3A_152 : i32 to index
            %parallel_loop3A_154 = tpu.vector_load %arg6[%parallel_loop3A_153] {strides = array<i32>} : memref<1280xf32, #tpu.memory_space<vmem>>, vector<16xf32>,
            tpu.vector_store %arg6[%parallel_loop3A_153], %broadcast_in_dim3A_87 {add = true, strides = array<i32>} : memref<1280xf32, #tpu.memory_space<vmem>>, vector<16xf32>,
            %parallel_loop3A_155 = vector.extract_strided_slice %parallel_loop3A_94 {offsets = [10], sizes = [1], strides = [1]} : vector<16xi32> to vector<1xi32>
            %parallel_loop3A_156 = vector.extract %parallel_loop3A_155[0] : i32 from vector<1xi32>
            %parallel_loop3A_157 = arith.constant 16 : i32
            %parallel_loop3A_158 = arith.muli %parallel_loop3A_156, %parallel_loop3A_157 : i32
            %parallel_loop3A_159 = arith.index_cast %parallel_loop3A_158 : i32 to index
            %parallel_loop3A_160 = tpu.vector_load %arg6[%parallel_loop3A_159] {strides = array<i32>} : memref<1280xf32, #tpu.memory_space<vmem>>, vector<16xf32>,
            tpu.vector_store %arg6[%parallel_loop3A_159], %broadcast_in_dim3A_87 {add = true, strides = array<i32>} : memref<1280xf32, #tpu.memory_space<vmem>>, vector<16xf32>,
            %parallel_loop3A_161 = vector.extract_strided_slice %parallel_loop3A_94 {offsets = [11], sizes = [1], strides = [1]} : vector<16xi32> to vector<1xi32>
            %parallel_loop3A_162 = vector.extract %parallel_loop3A_161[0] : i32 from vector<1xi32>
            %parallel_loop3A_163 = arith.constant 16 : i32
            %parallel_loop3A_164 = arith.muli %parallel_loop3A_162, %parallel_loop3A_163 : i32
            %parallel_loop3A_165 = arith.index_cast %parallel_loop3A_164 : i32 to index
            %parallel_loop3A_166 = tpu.vector_load %arg6[%parallel_loop3A_165] {strides = array<i32>} : memref<1280xf32, #tpu.memory_space<vmem>>, vector<16xf32>,
            tpu.vector_store %arg6[%parallel_loop3A_165], %broadcast_in_dim3A_87 {add = true, strides = array<i32>} : memref<1280xf32, #tpu.memory_space<vmem>>, vector<16xf32>,
            %parallel_loop3A_167 = vector.extract_strided_slice %parallel_loop3A_94 {offsets = [12], sizes = [1], strides = [1]} : vector<16xi32> to vector<1xi32>
            %parallel_loop3A_168 = vector.extract %parallel_loop3A_167[0] : i32 from vector<1xi32>
            %parallel_loop3A_169 = arith.constant 16 : i32
            %parallel_loop3A_170 = arith.muli %parallel_loop3A_168, %parallel_loop3A_169 : i32
            %parallel_loop3A_171 = arith.index_cast %parallel_loop3A_170 : i32 to index
            %parallel_loop3A_172 = tpu.vector_load %arg6[%parallel_loop3A_171] {strides = array<i32>} : memref<1280xf32, #tpu.memory_space<vmem>>, vector<16xf32>,
            tpu.vector_store %arg6[%parallel_loop3A_171], %broadcast_in_dim3A_87 {add = true, strides = array<i32>} : memref<1280xf32, #tpu.memory_space<vmem>>, vector<16xf32>,
            %parallel_loop3A_173 = vector.extract_strided_slice %parallel_loop3A_94 {offsets = [13], sizes = [1], strides = [1]} : vector<16xi32> to vector<1xi32>
            %parallel_loop3A_174 = vector.extract %parallel_loop3A_173[0] : i32 from vector<1xi32>
            %parallel_loop3A_175 = arith.constant 16 : i32
            %parallel_loop3A_176 = arith.muli %parallel_loop3A_174, %parallel_loop3A_175 : i32
            %parallel_loop3A_177 = arith.index_cast %parallel_loop3A_176 : i32 to index
            %parallel_loop3A_178 = tpu.vector_load %arg6[%parallel_loop3A_177] {strides = array<i32>} : memref<1280xf32, #tpu.memory_space<vmem>>, vector<16xf32>,
            tpu.vector_store %arg6[%parallel_loop3A_177], %broadcast_in_dim3A_87 {add = true, strides = array<i32>} : memref<1280xf32, #tpu.memory_space<vmem>>, vector<16xf32>,
            %parallel_loop3A_179 = vector.extract_strided_slice %parallel_loop3A_94 {offsets = [14], sizes = [1], strides = [1]} : vector<16xi32> to vector<1xi32>
            %parallel_loop3A_180 = vector.extract %parallel_loop3A_179[0] : i32 from vector<1xi32>
            %parallel_loop3A_181 = arith.constant 16 : i32
            %parallel_loop3A_182 = arith.muli %parallel_loop3A_180, %parallel_loop3A_181 : i32
            %parallel_loop3A_183 = arith.index_cast %parallel_loop3A_182 : i32 to index
            %parallel_loop3A_184 = tpu.vector_load %arg6[%parallel_loop3A_183] {strides = array<i32>} : memref<1280xf32, #tpu.memory_space<vmem>>, vector<16xf32>,
            tpu.vector_store %arg6[%parallel_loop3A_183], %broadcast_in_dim3A_87 {add = true, strides = array<i32>} : memref<1280xf32, #tpu.memory_space<vmem>>, vector<16xf32>,
            %parallel_loop3A_185 = vector.extract_strided_slice %parallel_loop3A_94 {offsets = [15], sizes = [1], strides = [1]} : vector<16xi32> to vector<1xi32>
            %parallel_loop3A_186 = vector.extract %parallel_loop3A_185[0] : i32 from vector<1xi32>
            %parallel_loop3A_187 = arith.constant 16 : i32
            %parallel_loop3A_188 = arith.muli %parallel_loop3A_186, %parallel_loop3A_187 : i32
            %parallel_loop3A_189 = arith.index_cast %parallel_loop3A_188 : i32 to index
            %parallel_loop3A_190 = tpu.vector_load %arg6[%parallel_loop3A_189] {strides = array<i32>} : memref<1280xf32, #tpu.memory_space<vmem>>, vector<16xf32>,
            tpu.vector_store %arg6[%parallel_loop3A_189], %broadcast_in_dim3A_87 {add = true, strides = array<i32>} : memref<1280xf32, #tpu.memory_space<vmem>>, vector<16xf32>,
          } {sc.loop_unroll_factor = 1 : i64, sc.parallel_access}
        } else {
        }
        %not3A_78 = arith.constant true
        %not3A_79 = arith.xori %eq3A_74, %not3A_78 : i1
        %convert_element_type3A_80 = arith.extui %not3A_79 : i1 to i32
        %cond3A_81 = arith.constant 0 : i32
        %cond3A_82 = arith.cmpi ne, %convert_element_type3A_80, %cond3A_81 : i32
        scf.if %cond3A_82 {
          %dma_wait3A = arith.constant 0 : i32
          %dma_wait3A_83 = tpu.memref_slice %arg2[%dma_wait3A] : memref<100000xi32, #tpu.memory_space<hbm>> -> memref<800xi32, #tpu.memory_space<hbm>>
          %dma_wait3A_84 = arith.constant 0 : i32
          %dma_wait3A_85 = tpu.memref_slice %arg2[%dma_wait3A_84] : memref<100000xi32, #tpu.memory_space<hbm>> -> memref<800xi32, #tpu.memory_space<hbm>>
          tpu.wait_dma2 semaphore(%arg8 : memref<!tpu.dma_semaphore, #tpu.memory_space<semaphore_mem>>) src(%dma_wait3A_85 : memref<800xi32, #tpu.memory_space<hbm>>) dst(%arg5 : memref<800xi32, #tpu.memory_space<vmem>>)
          %broadcast_in_dim3A_86 = arith.constant 1.000000e+00 : f32
          %broadcast_in_dim3A_87 = vector.broadcast %broadcast_in_dim3A_86 : f32 to vector<16xf32>
          %parallel_loop3A = arith.constant 0 : i32
          %parallel_loop3A_88 = arith.constant 50 : i32
          %parallel_loop3A_89 = arith.constant 1 : i32
          scf.for %parallel_loop3A_90 = %parallel_loop3A to %parallel_loop3A_88 step %parallel_loop3A_89  : i32 {
            %parallel_loop3A_91 = arith.constant 16 : i32
            %parallel_loop3A_92 = arith.muli %parallel_loop3A_90, %parallel_loop3A_91 : i32
            %parallel_loop3A_93 = arith.index_cast %parallel_loop3A_92 : i32 to index
            %parallel_loop3A_94 = tpu.vector_load %arg5[%parallel_loop3A_93] {strides = array<i32>} : memref<800xi32, #tpu.memory_space<vmem>>, vector<16xi32>,
            %parallel_loop3A_95 = vector.extract_strided_slice %parallel_loop3A_94 {offsets = [0], sizes = [1], strides = [1]} : vector<16xi32> to vector<1xi32>
            %parallel_loop3A_96 = vector.extract %parallel_loop3A_95[0] : i32 from vector<1xi32>
            %parallel_loop3A_97 = arith.constant 16 : i32
            %parallel_loop3A_98 = arith.muli %parallel_loop3A_96, %parallel_loop3A_97 : i32
            %parallel_loop3A_99 = arith.index_cast %parallel_loop3A_98 : i32 to index
            %parallel_loop3A_100 = tpu.vector_load %arg6[%parallel_loop3A_99] {strides = array<i32>} : memref<1280xf32, #tpu.memory_space<vmem>>, vector<16xf32>,
            tpu.vector_store %arg6[%parallel_loop3A_99], %broadcast_in_dim3A_87 {add = true, strides = array<i32>} : memref<1280xf32, #tpu.memory_space<vmem>>, vector<16xf32>,
            %parallel_loop3A_101 = vector.extract_strided_slice %parallel_loop3A_94 {offsets = [1], sizes = [1], strides = [1]} : vector<16xi32> to vector<1xi32>
            %parallel_loop3A_102 = vector.extract %parallel_loop3A_101[0] : i32 from vector<1xi32>
            %parallel_loop3A_103 = arith.constant 16 : i32
            %parallel_loop3A_104 = arith.muli %parallel_loop3A_102, %parallel_loop3A_103 : i32
            %parallel_loop3A_105 = arith.index_cast %parallel_loop3A_104 : i32 to index
            %parallel_loop3A_106 = tpu.vector_load %arg6[%parallel_loop3A_105] {strides = array<i32>} : memref<1280xf32, #tpu.memory_space<vmem>>, vector<16xf32>,
            tpu.vector_store %arg6[%parallel_loop3A_105], %broadcast_in_dim3A_87 {add = true, strides = array<i32>} : memref<1280xf32, #tpu.memory_space<vmem>>, vector<16xf32>,
            %parallel_loop3A_107 = vector.extract_strided_slice %parallel_loop3A_94 {offsets = [2], sizes = [1], strides = [1]} : vector<16xi32> to vector<1xi32>
            %parallel_loop3A_108 = vector.extract %parallel_loop3A_107[0] : i32 from vector<1xi32>
            %parallel_loop3A_109 = arith.constant 16 : i32
            %parallel_loop3A_110 = arith.muli %parallel_loop3A_108, %parallel_loop3A_109 : i32
            %parallel_loop3A_111 = arith.index_cast %parallel_loop3A_110 : i32 to index
            %parallel_loop3A_112 = tpu.vector_load %arg6[%parallel_loop3A_111] {strides = array<i32>} : memref<1280xf32, #tpu.memory_space<vmem>>, vector<16xf32>,
            tpu.vector_store %arg6[%parallel_loop3A_111], %broadcast_in_dim3A_87 {add = true, strides = array<i32>} : memref<1280xf32, #tpu.memory_space<vmem>>, vector<16xf32>,
            %parallel_loop3A_113 = vector.extract_strided_slice %parallel_loop3A_94 {offsets = [3], sizes = [1], strides = [1]} : vector<16xi32> to vector<1xi32>
            %parallel_loop3A_114 = vector.extract %parallel_loop3A_113[0] : i32 from vector<1xi32>
            %parallel_loop3A_115 = arith.constant 16 : i32
            %parallel_loop3A_116 = arith.muli %parallel_loop3A_114, %parallel_loop3A_115 : i32
            %parallel_loop3A_117 = arith.index_cast %parallel_loop3A_116 : i32 to index
            %parallel_loop3A_118 = tpu.vector_load %arg6[%parallel_loop3A_117] {strides = array<i32>} : memref<1280xf32, #tpu.memory_space<vmem>>, vector<16xf32>,
            tpu.vector_store %arg6[%parallel_loop3A_117], %broadcast_in_dim3A_87 {add = true, strides = array<i32>} : memref<1280xf32, #tpu.memory_space<vmem>>, vector<16xf32>,
            %parallel_loop3A_119 = vector.extract_strided_slice %parallel_loop3A_94 {offsets = [4], sizes = [1], strides = [1]} : vector<16xi32> to vector<1xi32>
            %parallel_loop3A_120 = vector.extract %parallel_loop3A_119[0] : i32 from vector<1xi32>
            %parallel_loop3A_121 = arith.constant 16 : i32
            %parallel_loop3A_122 = arith.muli %parallel_loop3A_120, %parallel_loop3A_121 : i32
            %parallel_loop3A_123 = arith.index_cast %parallel_loop3A_122 : i32 to index
            %parallel_loop3A_124 = tpu.vector_load %arg6[%parallel_loop3A_123] {strides = array<i32>} : memref<1280xf32, #tpu.memory_space<vmem>>, vector<16xf32>,
            tpu.vector_store %arg6[%parallel_loop3A_123], %broadcast_in_dim3A_87 {add = true, strides = array<i32>} : memref<1280xf32, #tpu.memory_space<vmem>>, vector<16xf32>,
            %parallel_loop3A_125 = vector.extract_strided_slice %parallel_loop3A_94 {offsets = [5], sizes = [1], strides = [1]} : vector<16xi32> to vector<1xi32>
            %parallel_loop3A_126 = vector.extract %parallel_loop3A_125[0] : i32 from vector<1xi32>
            %parallel_loop3A_127 = arith.constant 16 : i32
            %parallel_loop3A_128 = arith.muli %parallel_loop3A_126, %parallel_loop3A_127 : i32
            %parallel_loop3A_129 = arith.index_cast %parallel_loop3A_128 : i32 to index
            %parallel_loop3A_130 = tpu.vector_load %arg6[%parallel_loop3A_129] {strides = array<i32>} : memref<1280xf32, #tpu.memory_space<vmem>>, vector<16xf32>,
            tpu.vector_store %arg6[%parallel_loop3A_129], %broadcast_in_dim3A_87 {add = true, strides = array<i32>} : memref<1280xf32, #tpu.memory_space<vmem>>, vector<16xf32>,
            %parallel_loop3A_131 = vector.extract_strided_slice %parallel_loop3A_94 {offsets = [6], sizes = [1], strides = [1]} : vector<16xi32> to vector<1xi32>
            %parallel_loop3A_132 = vector.extract %parallel_loop3A_131[0] : i32 from vector<1xi32>
            %parallel_loop3A_133 = arith.constant 16 : i32
            %parallel_loop3A_134 = arith.muli %parallel_loop3A_132, %parallel_loop3A_133 : i32
            %parallel_loop3A_135 = arith.index_cast %parallel_loop3A_134 : i32 to index
            %parallel_loop3A_136 = tpu.vector_load %arg6[%parallel_loop3A_135] {strides = array<i32>} : memref<1280xf32, #tpu.memory_space<vmem>>, vector<16xf32>,
            tpu.vector_store %arg6[%parallel_loop3A_135], %broadcast_in_dim3A_87 {add = true, strides = array<i32>} : memref<1280xf32, #tpu.memory_space<vmem>>, vector<16xf32>,
            %parallel_loop3A_137 = vector.extract_strided_slice %parallel_loop3A_94 {offsets = [7], sizes = [1], strides = [1]} : vector<16xi32> to vector<1xi32>
            %parallel_loop3A_138 = vector.extract %parallel_loop3A_137[0] : i32 from vector<1xi32>
            %parallel_loop3A_139 = arith.constant 16 : i32
            %parallel_loop3A_140 = arith.muli %parallel_loop3A_138, %parallel_loop3A_139 : i32
            %parallel_loop3A_141 = arith.index_cast %parallel_loop3A_140 : i32 to index
            %parallel_loop3A_142 = tpu.vector_load %arg6[%parallel_loop3A_141] {strides = array<i32>} : memref<1280xf32, #tpu.memory_space<vmem>>, vector<16xf32>,
            tpu.vector_store %arg6[%parallel_loop3A_141], %broadcast_in_dim3A_87 {add = true, strides = array<i32>} : memref<1280xf32, #tpu.memory_space<vmem>>, vector<16xf32>,
            %parallel_loop3A_143 = vector.extract_strided_slice %parallel_loop3A_94 {offsets = [8], sizes = [1], strides = [1]} : vector<16xi32> to vector<1xi32>
            %parallel_loop3A_144 = vector.extract %parallel_loop3A_143[0] : i32 from vector<1xi32>
            %parallel_loop3A_145 = arith.constant 16 : i32
            %parallel_loop3A_146 = arith.muli %parallel_loop3A_144, %parallel_loop3A_145 : i32
            %parallel_loop3A_147 = arith.index_cast %parallel_loop3A_146 : i32 to index
            %parallel_loop3A_148 = tpu.vector_load %arg6[%parallel_loop3A_147] {strides = array<i32>} : memref<1280xf32, #tpu.memory_space<vmem>>, vector<16xf32>,
            tpu.vector_store %arg6[%parallel_loop3A_147], %broadcast_in_dim3A_87 {add = true, strides = array<i32>} : memref<1280xf32, #tpu.memory_space<vmem>>, vector<16xf32>,
            %parallel_loop3A_149 = vector.extract_strided_slice %parallel_loop3A_94 {offsets = [9], sizes = [1], strides = [1]} : vector<16xi32> to vector<1xi32>
            %parallel_loop3A_150 = vector.extract %parallel_loop3A_149[0] : i32 from vector<1xi32>
            %parallel_loop3A_151 = arith.constant 16 : i32
            %parallel_loop3A_152 = arith.muli %parallel_loop3A_150, %parallel_loop3A_151 : i32
            %parallel_loop3A_153 = arith.index_cast %parallel_loop3A_152 : i32 to index
            %parallel_loop3A_154 = tpu.vector_load %arg6[%parallel_loop3A_153] {strides = array<i32>} : memref<1280xf32, #tpu.memory_space<vmem>>, vector<16xf32>,
            tpu.vector_store %arg6[%parallel_loop3A_153], %broadcast_in_dim3A_87 {add = true, strides = array<i32>} : memref<1280xf32, #tpu.memory_space<vmem>>, vector<16xf32>,
            %parallel_loop3A_155 = vector.extract_strided_slice %parallel_loop3A_94 {offsets = [10], sizes = [1], strides = [1]} : vector<16xi32> to vector<1xi32>
            %parallel_loop3A_156 = vector.extract %parallel_loop3A_155[0] : i32 from vector<1xi32>
            %parallel_loop3A_157 = arith.constant 16 : i32
            %parallel_loop3A_158 = arith.muli %parallel_loop3A_156, %parallel_loop3A_157 : i32
            %parallel_loop3A_159 = arith.index_cast %parallel_loop3A_158 : i32 to index
            %parallel_loop3A_160 = tpu.vector_load %arg6[%parallel_loop3A_159] {strides = array<i32>} : memref<1280xf32, #tpu.memory_space<vmem>>, vector<16xf32>,
            tpu.vector_store %arg6[%parallel_loop3A_159], %broadcast_in_dim3A_87 {add = true, strides = array<i32>} : memref<1280xf32, #tpu.memory_space<vmem>>, vector<16xf32>,
            %parallel_loop3A_161 = vector.extract_strided_slice %parallel_loop3A_94 {offsets = [11], sizes = [1], strides = [1]} : vector<16xi32> to vector<1xi32>
            %parallel_loop3A_162 = vector.extract %parallel_loop3A_161[0] : i32 from vector<1xi32>
            %parallel_loop3A_163 = arith.constant 16 : i32
            %parallel_loop3A_164 = arith.muli %parallel_loop3A_162, %parallel_loop3A_163 : i32
            %parallel_loop3A_165 = arith.index_cast %parallel_loop3A_164 : i32 to index
            %parallel_loop3A_166 = tpu.vector_load %arg6[%parallel_loop3A_165] {strides = array<i32>} : memref<1280xf32, #tpu.memory_space<vmem>>, vector<16xf32>,
            tpu.vector_store %arg6[%parallel_loop3A_165], %broadcast_in_dim3A_87 {add = true, strides = array<i32>} : memref<1280xf32, #tpu.memory_space<vmem>>, vector<16xf32>,
            %parallel_loop3A_167 = vector.extract_strided_slice %parallel_loop3A_94 {offsets = [12], sizes = [1], strides = [1]} : vector<16xi32> to vector<1xi32>
            %parallel_loop3A_168 = vector.extract %parallel_loop3A_167[0] : i32 from vector<1xi32>
            %parallel_loop3A_169 = arith.constant 16 : i32
            %parallel_loop3A_170 = arith.muli %parallel_loop3A_168, %parallel_loop3A_169 : i32
            %parallel_loop3A_171 = arith.index_cast %parallel_loop3A_170 : i32 to index
            %parallel_loop3A_172 = tpu.vector_load %arg6[%parallel_loop3A_171] {strides = array<i32>} : memref<1280xf32, #tpu.memory_space<vmem>>, vector<16xf32>,
            tpu.vector_store %arg6[%parallel_loop3A_171], %broadcast_in_dim3A_87 {add = true, strides = array<i32>} : memref<1280xf32, #tpu.memory_space<vmem>>, vector<16xf32>,
            %parallel_loop3A_173 = vector.extract_strided_slice %parallel_loop3A_94 {offsets = [13], sizes = [1], strides = [1]} : vector<16xi32> to vector<1xi32>
            %parallel_loop3A_174 = vector.extract %parallel_loop3A_173[0] : i32 from vector<1xi32>
            %parallel_loop3A_175 = arith.constant 16 : i32
            %parallel_loop3A_176 = arith.muli %parallel_loop3A_174, %parallel_loop3A_175 : i32
            %parallel_loop3A_177 = arith.index_cast %parallel_loop3A_176 : i32 to index
            %parallel_loop3A_178 = tpu.vector_load %arg6[%parallel_loop3A_177] {strides = array<i32>} : memref<1280xf32, #tpu.memory_space<vmem>>, vector<16xf32>,
            tpu.vector_store %arg6[%parallel_loop3A_177], %broadcast_in_dim3A_87 {add = true, strides = array<i32>} : memref<1280xf32, #tpu.memory_space<vmem>>, vector<16xf32>,
            %parallel_loop3A_179 = vector.extract_strided_slice %parallel_loop3A_94 {offsets = [14], sizes = [1], strides = [1]} : vector<16xi32> to vector<1xi32>
            %parallel_loop3A_180 = vector.extract %parallel_loop3A_179[0] : i32 from vector<1xi32>
            %parallel_loop3A_181 = arith.constant 16 : i32
            %parallel_loop3A_182 = arith.muli %parallel_loop3A_180, %parallel_loop3A_181 : i32
            %parallel_loop3A_183 = arith.index_cast %parallel_loop3A_182 : i32 to index
            %parallel_loop3A_184 = tpu.vector_load %arg6[%parallel_loop3A_183] {strides = array<i32>} : memref<1280xf32, #tpu.memory_space<vmem>>, vector<16xf32>,
            tpu.vector_store %arg6[%parallel_loop3A_183], %broadcast_in_dim3A_87 {add = true, strides = array<i32>} : memref<1280xf32, #tpu.memory_space<vmem>>, vector<16xf32>,
            %parallel_loop3A_185 = vector.extract_strided_slice %parallel_loop3A_94 {offsets = [15], sizes = [1], strides = [1]} : vector<16xi32> to vector<1xi32>
            %parallel_loop3A_186 = vector.extract %parallel_loop3A_185[0] : i32 from vector<1xi32>
            %parallel_loop3A_187 = arith.constant 16 : i32
            %parallel_loop3A_188 = arith.muli %parallel_loop3A_186, %parallel_loop3A_187 : i32
            %parallel_loop3A_189 = arith.index_cast %parallel_loop3A_188 : i32 to index
            %parallel_loop3A_190 = tpu.vector_load %arg6[%parallel_loop3A_189] {strides = array<i32>} : memref<1280xf32, #tpu.memory_space<vmem>>, vector<16xf32>,
            tpu.vector_store %arg6[%parallel_loop3A_189], %broadcast_in_dim3A_87 {add = true, strides = array<i32>} : memref<1280xf32, #tpu.memory_space<vmem>>, vector<16xf32>,
          } {sc.loop_unroll_factor = 1 : i64, sc.parallel_access}
        } else {
        }
      }
      %while3A_26 = arith.constant 1 : i32
      scf.for %while3A_27 = %while3A_24 to %while3A_20 step %while3A_26  : i32 {
        %add3A_28 = arith.constant 1 : i32
        %add3A_29 = arith.addi %while3A_27, %add3A_28 : i32
        %add3A_30 = arith.addi %add3A_12, %add3A_29 : i32
        %mul3A_31 = arith.constant 800 : i32
        %mul3A_32 = arith.muli %add3A_30, %mul3A_31 : i32
        %jit3A_33 = arith.constant 2 : i32
        %eq3A = arith.constant 0 : i32
        %eq3A_34 = arith.cmpi eq, %jit3A_33, %eq3A : i32
        %jit3A_35 = arith.constant 1 : i32
        %select_n3A_36 = arith.select %eq3A_34, %jit3A_35, %jit3A_33 : i32
        %rem3A = arith.remsi %add3A_29, %select_n3A_36 : i32
        %ne3A = arith.constant 0 : i32
        %ne3A_37 = arith.cmpi ne, %rem3A, %ne3A : i32
        %lt3A_38 = arith.constant 0 : i32
        %lt3A_39 = arith.cmpi slt, %rem3A, %lt3A_38 : i32
        %lt3A_40 = arith.constant 0 : i32
        %lt3A_41 = arith.cmpi slt, %select_n3A_36, %lt3A_40 : i32
        %ne3A_42 = arith.xori %lt3A_39, %lt3A_41 : i1
        %and3A = arith.andi %ne3A_42, %ne3A_37 : i1
        %add3A_43 = arith.addi %rem3A, %select_n3A_36 : i32
        %select_n3A_44 = arith.select %and3A, %add3A_43, %rem3A : i32
        %eq3A_45 = arith.constant 0 : i32
        %eq3A_46 = arith.cmpi eq, %select_n3A_44, %eq3A_45 : i32
        %lt3A_47 = arith.cmpi slt, %add3A_29, %select_n3A : i32
        %and3A_48 = arith.andi %lt3A_47, %eq3A_46 : i1
        %convert_element_type3A_49 = arith.extui %and3A_48 : i1 to i32
        %cond3A_50 = arith.constant 0 : i32
        %cond3A_51 = arith.cmpi ne, %convert_element_type3A_49, %cond3A_50 : i32
        scf.if %cond3A_51 {
          %dma_start3A_83 = tpu.memref_slice %arg2[%mul3A_32] : memref<100000xi32, #tpu.memory_space<hbm>> -> memref<800xi32, #tpu.memory_space<hbm>>
          %dma_start3A_84 = tpu.memref_slice %arg2[%mul3A_32] : memref<100000xi32, #tpu.memory_space<hbm>> -> memref<800xi32, #tpu.memory_space<hbm>>
          tpu.enqueue_dma source(%dma_start3A_84 : memref<800xi32, #tpu.memory_space<hbm>>) target(%arg4 : memref<800xi32, #tpu.memory_space<vmem>>) target_semaphore(%arg7 : memref<!tpu.dma_semaphore, #tpu.memory_space<semaphore_mem>>)
        } else {
        }
        %not3A = arith.constant true
        %not3A_52 = arith.xori %eq3A_46, %not3A : i1
        %and3A_53 = arith.andi %lt3A_47, %not3A_52 : i1
        %convert_element_type3A_54 = arith.extui %and3A_53 : i1 to i32
        %cond3A_55 = arith.constant 0 : i32
        %cond3A_56 = arith.cmpi ne, %convert_element_type3A_54, %cond3A_55 : i32
        scf.if %cond3A_56 {
          %dma_start3A_83 = tpu.memref_slice %arg2[%mul3A_32] : memref<100000xi32, #tpu.memory_space<hbm>> -> memref<800xi32, #tpu.memory_space<hbm>>
          %dma_start3A_84 = tpu.memref_slice %arg2[%mul3A_32] : memref<100000xi32, #tpu.memory_space<hbm>> -> memref<800xi32, #tpu.memory_space<hbm>>
          tpu.enqueue_dma source(%dma_start3A_84 : memref<800xi32, #tpu.memory_space<hbm>>) target(%arg5 : memref<800xi32, #tpu.memory_space<vmem>>) target_semaphore(%arg8 : memref<!tpu.dma_semaphore, #tpu.memory_space<semaphore_mem>>)
        } else {
        }
        %jit3A_57 = arith.constant 2 : i32
        %eq3A_58 = arith.constant 0 : i32
        %eq3A_59 = arith.cmpi eq, %jit3A_57, %eq3A_58 : i32
        %jit3A_60 = arith.constant 1 : i32
        %select_n3A_61 = arith.select %eq3A_59, %jit3A_60, %jit3A_57 : i32
        %rem3A_62 = arith.remsi %while3A_27, %select_n3A_61 : i32
        %ne3A_63 = arith.constant 0 : i32
        %ne3A_64 = arith.cmpi ne, %rem3A_62, %ne3A_63 : i32
        %lt3A_65 = arith.constant 0 : i32
        %lt3A_66 = arith.cmpi slt, %rem3A_62, %lt3A_65 : i32
        %lt3A_67 = arith.constant 0 : i32
        %lt3A_68 = arith.cmpi slt, %select_n3A_61, %lt3A_67 : i32
        %ne3A_69 = arith.xori %lt3A_66, %lt3A_68 : i1
        %and3A_70 = arith.andi %ne3A_69, %ne3A_64 : i1
        %add3A_71 = arith.addi %rem3A_62, %select_n3A_61 : i32
        %select_n3A_72 = arith.select %and3A_70, %add3A_71, %rem3A_62 : i32
        %eq3A_73 = arith.constant 0 : i32
        %eq3A_74 = arith.cmpi eq, %select_n3A_72, %eq3A_73 : i32
        %convert_element_type3A_75 = arith.extui %eq3A_74 : i1 to i32
        %cond3A_76 = arith.constant 0 : i32
        %cond3A_77 = arith.cmpi ne, %convert_element_type3A_75, %cond3A_76 : i32
        scf.if %cond3A_77 {
          %dma_wait3A = arith.constant 0 : i32
          %dma_wait3A_83 = tpu.memref_slice %arg2[%dma_wait3A] : memref<100000xi32, #tpu.memory_space<hbm>> -> memref<800xi32, #tpu.memory_space<hbm>>
          %dma_wait3A_84 = arith.constant 0 : i32
          %dma_wait3A_85 = tpu.memref_slice %arg2[%dma_wait3A_84] : memref<100000xi32, #tpu.memory_space<hbm>> -> memref<800xi32, #tpu.memory_space<hbm>>
          tpu.wait_dma2 semaphore(%arg7 : memref<!tpu.dma_semaphore, #tpu.memory_space<semaphore_mem>>) src(%dma_wait3A_85 : memref<800xi32, #tpu.memory_space<hbm>>) dst(%arg4 : memref<800xi32, #tpu.memory_space<vmem>>)
          %broadcast_in_dim3A_86 = arith.constant 1.000000e+00 : f32
          %broadcast_in_dim3A_87 = vector.broadcast %broadcast_in_dim3A_86 : f32 to vector<16xf32>
          %parallel_loop3A = arith.constant 0 : i32
          %parallel_loop3A_88 = arith.constant 50 : i32
          %parallel_loop3A_89 = arith.constant 1 : i32
          scf.for %parallel_loop3A_90 = %parallel_loop3A to %parallel_loop3A_88 step %parallel_loop3A_89  : i32 {
            %parallel_loop3A_91 = arith.constant 16 : i32
            %parallel_loop3A_92 = arith.muli %parallel_loop3A_90, %parallel_loop3A_91 : i32
            %parallel_loop3A_93 = arith.index_cast %parallel_loop3A_92 : i32 to index
            %parallel_loop3A_94 = tpu.vector_load %arg4[%parallel_loop3A_93] {strides = array<i32>} : memref<800xi32, #tpu.memory_space<vmem>>, vector<16xi32>,
            %parallel_loop3A_95 = vector.extract_strided_slice %parallel_loop3A_94 {offsets = [0], sizes = [1], strides = [1]} : vector<16xi32> to vector<1xi32>
            %parallel_loop3A_96 = vector.extract %parallel_loop3A_95[0] : i32 from vector<1xi32>
            %parallel_loop3A_97 = arith.constant 16 : i32
            %parallel_loop3A_98 = arith.muli %parallel_loop3A_96, %parallel_loop3A_97 : i32
            %parallel_loop3A_99 = arith.index_cast %parallel_loop3A_98 : i32 to index
            %parallel_loop3A_100 = tpu.vector_load %arg6[%parallel_loop3A_99] {strides = array<i32>} : memref<1280xf32, #tpu.memory_space<vmem>>, vector<16xf32>,
            tpu.vector_store %arg6[%parallel_loop3A_99], %broadcast_in_dim3A_87 {add = true, strides = array<i32>} : memref<1280xf32, #tpu.memory_space<vmem>>, vector<16xf32>,
            %parallel_loop3A_101 = vector.extract_strided_slice %parallel_loop3A_94 {offsets = [1], sizes = [1], strides = [1]} : vector<16xi32> to vector<1xi32>
            %parallel_loop3A_102 = vector.extract %parallel_loop3A_101[0] : i32 from vector<1xi32>
            %parallel_loop3A_103 = arith.constant 16 : i32
            %parallel_loop3A_104 = arith.muli %parallel_loop3A_102, %parallel_loop3A_103 : i32
            %parallel_loop3A_105 = arith.index_cast %parallel_loop3A_104 : i32 to index
            %parallel_loop3A_106 = tpu.vector_load %arg6[%parallel_loop3A_105] {strides = array<i32>} : memref<1280xf32, #tpu.memory_space<vmem>>, vector<16xf32>,
            tpu.vector_store %arg6[%parallel_loop3A_105], %broadcast_in_dim3A_87 {add = true, strides = array<i32>} : memref<1280xf32, #tpu.memory_space<vmem>>, vector<16xf32>,
            %parallel_loop3A_107 = vector.extract_strided_slice %parallel_loop3A_94 {offsets = [2], sizes = [1], strides = [1]} : vector<16xi32> to vector<1xi32>
            %parallel_loop3A_108 = vector.extract %parallel_loop3A_107[0] : i32 from vector<1xi32>
            %parallel_loop3A_109 = arith.constant 16 : i32
            %parallel_loop3A_110 = arith.muli %parallel_loop3A_108, %parallel_loop3A_109 : i32
            %parallel_loop3A_111 = arith.index_cast %parallel_loop3A_110 : i32 to index
            %parallel_loop3A_112 = tpu.vector_load %arg6[%parallel_loop3A_111] {strides = array<i32>} : memref<1280xf32, #tpu.memory_space<vmem>>, vector<16xf32>,
            tpu.vector_store %arg6[%parallel_loop3A_111], %broadcast_in_dim3A_87 {add = true, strides = array<i32>} : memref<1280xf32, #tpu.memory_space<vmem>>, vector<16xf32>,
            %parallel_loop3A_113 = vector.extract_strided_slice %parallel_loop3A_94 {offsets = [3], sizes = [1], strides = [1]} : vector<16xi32> to vector<1xi32>
            %parallel_loop3A_114 = vector.extract %parallel_loop3A_113[0] : i32 from vector<1xi32>
            %parallel_loop3A_115 = arith.constant 16 : i32
            %parallel_loop3A_116 = arith.muli %parallel_loop3A_114, %parallel_loop3A_115 : i32
            %parallel_loop3A_117 = arith.index_cast %parallel_loop3A_116 : i32 to index
            %parallel_loop3A_118 = tpu.vector_load %arg6[%parallel_loop3A_117] {strides = array<i32>} : memref<1280xf32, #tpu.memory_space<vmem>>, vector<16xf32>,
            tpu.vector_store %arg6[%parallel_loop3A_117], %broadcast_in_dim3A_87 {add = true, strides = array<i32>} : memref<1280xf32, #tpu.memory_space<vmem>>, vector<16xf32>,
            %parallel_loop3A_119 = vector.extract_strided_slice %parallel_loop3A_94 {offsets = [4], sizes = [1], strides = [1]} : vector<16xi32> to vector<1xi32>
            %parallel_loop3A_120 = vector.extract %parallel_loop3A_119[0] : i32 from vector<1xi32>
            %parallel_loop3A_121 = arith.constant 16 : i32
            %parallel_loop3A_122 = arith.muli %parallel_loop3A_120, %parallel_loop3A_121 : i32
            %parallel_loop3A_123 = arith.index_cast %parallel_loop3A_122 : i32 to index
            %parallel_loop3A_124 = tpu.vector_load %arg6[%parallel_loop3A_123] {strides = array<i32>} : memref<1280xf32, #tpu.memory_space<vmem>>, vector<16xf32>,
            tpu.vector_store %arg6[%parallel_loop3A_123], %broadcast_in_dim3A_87 {add = true, strides = array<i32>} : memref<1280xf32, #tpu.memory_space<vmem>>, vector<16xf32>,
            %parallel_loop3A_125 = vector.extract_strided_slice %parallel_loop3A_94 {offsets = [5], sizes = [1], strides = [1]} : vector<16xi32> to vector<1xi32>
            %parallel_loop3A_126 = vector.extract %parallel_loop3A_125[0] : i32 from vector<1xi32>
            %parallel_loop3A_127 = arith.constant 16 : i32
            %parallel_loop3A_128 = arith.muli %parallel_loop3A_126, %parallel_loop3A_127 : i32
            %parallel_loop3A_129 = arith.index_cast %parallel_loop3A_128 : i32 to index
            %parallel_loop3A_130 = tpu.vector_load %arg6[%parallel_loop3A_129] {strides = array<i32>} : memref<1280xf32, #tpu.memory_space<vmem>>, vector<16xf32>,
            tpu.vector_store %arg6[%parallel_loop3A_129], %broadcast_in_dim3A_87 {add = true, strides = array<i32>} : memref<1280xf32, #tpu.memory_space<vmem>>, vector<16xf32>,
            %parallel_loop3A_131 = vector.extract_strided_slice %parallel_loop3A_94 {offsets = [6], sizes = [1], strides = [1]} : vector<16xi32> to vector<1xi32>
            %parallel_loop3A_132 = vector.extract %parallel_loop3A_131[0] : i32 from vector<1xi32>
            %parallel_loop3A_133 = arith.constant 16 : i32
            %parallel_loop3A_134 = arith.muli %parallel_loop3A_132, %parallel_loop3A_133 : i32
            %parallel_loop3A_135 = arith.index_cast %parallel_loop3A_134 : i32 to index
            %parallel_loop3A_136 = tpu.vector_load %arg6[%parallel_loop3A_135] {strides = array<i32>} : memref<1280xf32, #tpu.memory_space<vmem>>, vector<16xf32>,
            tpu.vector_store %arg6[%parallel_loop3A_135], %broadcast_in_dim3A_87 {add = true, strides = array<i32>} : memref<1280xf32, #tpu.memory_space<vmem>>, vector<16xf32>,
            %parallel_loop3A_137 = vector.extract_strided_slice %parallel_loop3A_94 {offsets = [7], sizes = [1], strides = [1]} : vector<16xi32> to vector<1xi32>
            %parallel_loop3A_138 = vector.extract %parallel_loop3A_137[0] : i32 from vector<1xi32>
            %parallel_loop3A_139 = arith.constant 16 : i32
            %parallel_loop3A_140 = arith.muli %parallel_loop3A_138, %parallel_loop3A_139 : i32
            %parallel_loop3A_141 = arith.index_cast %parallel_loop3A_140 : i32 to index
            %parallel_loop3A_142 = tpu.vector_load %arg6[%parallel_loop3A_141] {strides = array<i32>} : memref<1280xf32, #tpu.memory_space<vmem>>, vector<16xf32>,
            tpu.vector_store %arg6[%parallel_loop3A_141], %broadcast_in_dim3A_87 {add = true, strides = array<i32>} : memref<1280xf32, #tpu.memory_space<vmem>>, vector<16xf32>,
            %parallel_loop3A_143 = vector.extract_strided_slice %parallel_loop3A_94 {offsets = [8], sizes = [1], strides = [1]} : vector<16xi32> to vector<1xi32>
            %parallel_loop3A_144 = vector.extract %parallel_loop3A_143[0] : i32 from vector<1xi32>
            %parallel_loop3A_145 = arith.constant 16 : i32
            %parallel_loop3A_146 = arith.muli %parallel_loop3A_144, %parallel_loop3A_145 : i32
            %parallel_loop3A_147 = arith.index_cast %parallel_loop3A_146 : i32 to index
            %parallel_loop3A_148 = tpu.vector_load %arg6[%parallel_loop3A_147] {strides = array<i32>} : memref<1280xf32, #tpu.memory_space<vmem>>, vector<16xf32>,
            tpu.vector_store %arg6[%parallel_loop3A_147], %broadcast_in_dim3A_87 {add = true, strides = array<i32>} : memref<1280xf32, #tpu.memory_space<vmem>>, vector<16xf32>,
            %parallel_loop3A_149 = vector.extract_strided_slice %parallel_loop3A_94 {offsets = [9], sizes = [1], strides = [1]} : vector<16xi32> to vector<1xi32>
            %parallel_loop3A_150 = vector.extract %parallel_loop3A_149[0] : i32 from vector<1xi32>
            %parallel_loop3A_151 = arith.constant 16 : i32
            %parallel_loop3A_152 = arith.muli %parallel_loop3A_150, %parallel_loop3A_151 : i32
            %parallel_loop3A_153 = arith.index_cast %parallel_loop3A_152 : i32 to index
            %parallel_loop3A_154 = tpu.vector_load %arg6[%parallel_loop3A_153] {strides = array<i32>} : memref<1280xf32, #tpu.memory_space<vmem>>, vector<16xf32>,
            tpu.vector_store %arg6[%parallel_loop3A_153], %broadcast_in_dim3A_87 {add = true, strides = array<i32>} : memref<1280xf32, #tpu.memory_space<vmem>>, vector<16xf32>,
            %parallel_loop3A_155 = vector.extract_strided_slice %parallel_loop3A_94 {offsets = [10], sizes = [1], strides = [1]} : vector<16xi32> to vector<1xi32>
            %parallel_loop3A_156 = vector.extract %parallel_loop3A_155[0] : i32 from vector<1xi32>
            %parallel_loop3A_157 = arith.constant 16 : i32
            %parallel_loop3A_158 = arith.muli %parallel_loop3A_156, %parallel_loop3A_157 : i32
            %parallel_loop3A_159 = arith.index_cast %parallel_loop3A_158 : i32 to index
            %parallel_loop3A_160 = tpu.vector_load %arg6[%parallel_loop3A_159] {strides = array<i32>} : memref<1280xf32, #tpu.memory_space<vmem>>, vector<16xf32>,
            tpu.vector_store %arg6[%parallel_loop3A_159], %broadcast_in_dim3A_87 {add = true, strides = array<i32>} : memref<1280xf32, #tpu.memory_space<vmem>>, vector<16xf32>,
            %parallel_loop3A_161 = vector.extract_strided_slice %parallel_loop3A_94 {offsets = [11], sizes = [1], strides = [1]} : vector<16xi32> to vector<1xi32>
            %parallel_loop3A_162 = vector.extract %parallel_loop3A_161[0] : i32 from vector<1xi32>
            %parallel_loop3A_163 = arith.constant 16 : i32
            %parallel_loop3A_164 = arith.muli %parallel_loop3A_162, %parallel_loop3A_163 : i32
            %parallel_loop3A_165 = arith.index_cast %parallel_loop3A_164 : i32 to index
            %parallel_loop3A_166 = tpu.vector_load %arg6[%parallel_loop3A_165] {strides = array<i32>} : memref<1280xf32, #tpu.memory_space<vmem>>, vector<16xf32>,
            tpu.vector_store %arg6[%parallel_loop3A_165], %broadcast_in_dim3A_87 {add = true, strides = array<i32>} : memref<1280xf32, #tpu.memory_space<vmem>>, vector<16xf32>,
            %parallel_loop3A_167 = vector.extract_strided_slice %parallel_loop3A_94 {offsets = [12], sizes = [1], strides = [1]} : vector<16xi32> to vector<1xi32>
            %parallel_loop3A_168 = vector.extract %parallel_loop3A_167[0] : i32 from vector<1xi32>
            %parallel_loop3A_169 = arith.constant 16 : i32
            %parallel_loop3A_170 = arith.muli %parallel_loop3A_168, %parallel_loop3A_169 : i32
            %parallel_loop3A_171 = arith.index_cast %parallel_loop3A_170 : i32 to index
            %parallel_loop3A_172 = tpu.vector_load %arg6[%parallel_loop3A_171] {strides = array<i32>} : memref<1280xf32, #tpu.memory_space<vmem>>, vector<16xf32>,
            tpu.vector_store %arg6[%parallel_loop3A_171], %broadcast_in_dim3A_87 {add = true, strides = array<i32>} : memref<1280xf32, #tpu.memory_space<vmem>>, vector<16xf32>,
            %parallel_loop3A_173 = vector.extract_strided_slice %parallel_loop3A_94 {offsets = [13], sizes = [1], strides = [1]} : vector<16xi32> to vector<1xi32>
            %parallel_loop3A_174 = vector.extract %parallel_loop3A_173[0] : i32 from vector<1xi32>
            %parallel_loop3A_175 = arith.constant 16 : i32
            %parallel_loop3A_176 = arith.muli %parallel_loop3A_174, %parallel_loop3A_175 : i32
            %parallel_loop3A_177 = arith.index_cast %parallel_loop3A_176 : i32 to index
            %parallel_loop3A_178 = tpu.vector_load %arg6[%parallel_loop3A_177] {strides = array<i32>} : memref<1280xf32, #tpu.memory_space<vmem>>, vector<16xf32>,
            tpu.vector_store %arg6[%parallel_loop3A_177], %broadcast_in_dim3A_87 {add = true, strides = array<i32>} : memref<1280xf32, #tpu.memory_space<vmem>>, vector<16xf32>,
            %parallel_loop3A_179 = vector.extract_strided_slice %parallel_loop3A_94 {offsets = [14], sizes = [1], strides = [1]} : vector<16xi32> to vector<1xi32>
            %parallel_loop3A_180 = vector.extract %parallel_loop3A_179[0] : i32 from vector<1xi32>
            %parallel_loop3A_181 = arith.constant 16 : i32
            %parallel_loop3A_182 = arith.muli %parallel_loop3A_180, %parallel_loop3A_181 : i32
            %parallel_loop3A_183 = arith.index_cast %parallel_loop3A_182 : i32 to index
            %parallel_loop3A_184 = tpu.vector_load %arg6[%parallel_loop3A_183] {strides = array<i32>} : memref<1280xf32, #tpu.memory_space<vmem>>, vector<16xf32>,
            tpu.vector_store %arg6[%parallel_loop3A_183], %broadcast_in_dim3A_87 {add = true, strides = array<i32>} : memref<1280xf32, #tpu.memory_space<vmem>>, vector<16xf32>,
            %parallel_loop3A_185 = vector.extract_strided_slice %parallel_loop3A_94 {offsets = [15], sizes = [1], strides = [1]} : vector<16xi32> to vector<1xi32>
            %parallel_loop3A_186 = vector.extract %parallel_loop3A_185[0] : i32 from vector<1xi32>
            %parallel_loop3A_187 = arith.constant 16 : i32
            %parallel_loop3A_188 = arith.muli %parallel_loop3A_186, %parallel_loop3A_187 : i32
            %parallel_loop3A_189 = arith.index_cast %parallel_loop3A_188 : i32 to index
            %parallel_loop3A_190 = tpu.vector_load %arg6[%parallel_loop3A_189] {strides = array<i32>} : memref<1280xf32, #tpu.memory_space<vmem>>, vector<16xf32>,
            tpu.vector_store %arg6[%parallel_loop3A_189], %broadcast_in_dim3A_87 {add = true, strides = array<i32>} : memref<1280xf32, #tpu.memory_space<vmem>>, vector<16xf32>,
          } {sc.loop_unroll_factor = 1 : i64, sc.parallel_access}
        } else {
        }
        %not3A_78 = arith.constant true
        %not3A_79 = arith.xori %eq3A_74, %not3A_78 : i1
        %convert_element_type3A_80 = arith.extui %not3A_79 : i1 to i32
        %cond3A_81 = arith.constant 0 : i32
        %cond3A_82 = arith.cmpi ne, %convert_element_type3A_80, %cond3A_81 : i32
        scf.if %cond3A_82 {
          %dma_wait3A = arith.constant 0 : i32
          %dma_wait3A_83 = tpu.memref_slice %arg2[%dma_wait3A] : memref<100000xi32, #tpu.memory_space<hbm>> -> memref<800xi32, #tpu.memory_space<hbm>>
          %dma_wait3A_84 = arith.constant 0 : i32
          %dma_wait3A_85 = tpu.memref_slice %arg2[%dma_wait3A_84] : memref<100000xi32, #tpu.memory_space<hbm>> -> memref<800xi32, #tpu.memory_space<hbm>>
          tpu.wait_dma2 semaphore(%arg8 : memref<!tpu.dma_semaphore, #tpu.memory_space<semaphore_mem>>) src(%dma_wait3A_85 : memref<800xi32, #tpu.memory_space<hbm>>) dst(%arg5 : memref<800xi32, #tpu.memory_space<vmem>>)
          %broadcast_in_dim3A_86 = arith.constant 1.000000e+00 : f32
          %broadcast_in_dim3A_87 = vector.broadcast %broadcast_in_dim3A_86 : f32 to vector<16xf32>
          %parallel_loop3A = arith.constant 0 : i32
          %parallel_loop3A_88 = arith.constant 50 : i32
          %parallel_loop3A_89 = arith.constant 1 : i32
          scf.for %parallel_loop3A_90 = %parallel_loop3A to %parallel_loop3A_88 step %parallel_loop3A_89  : i32 {
            %parallel_loop3A_91 = arith.constant 16 : i32
            %parallel_loop3A_92 = arith.muli %parallel_loop3A_90, %parallel_loop3A_91 : i32
            %parallel_loop3A_93 = arith.index_cast %parallel_loop3A_92 : i32 to index
            %parallel_loop3A_94 = tpu.vector_load %arg5[%parallel_loop3A_93] {strides = array<i32>} : memref<800xi32, #tpu.memory_space<vmem>>, vector<16xi32>,
            %parallel_loop3A_95 = vector.extract_strided_slice %parallel_loop3A_94 {offsets = [0], sizes = [1], strides = [1]} : vector<16xi32> to vector<1xi32>
            %parallel_loop3A_96 = vector.extract %parallel_loop3A_95[0] : i32 from vector<1xi32>
            %parallel_loop3A_97 = arith.constant 16 : i32
            %parallel_loop3A_98 = arith.muli %parallel_loop3A_96, %parallel_loop3A_97 : i32
            %parallel_loop3A_99 = arith.index_cast %parallel_loop3A_98 : i32 to index
            %parallel_loop3A_100 = tpu.vector_load %arg6[%parallel_loop3A_99] {strides = array<i32>} : memref<1280xf32, #tpu.memory_space<vmem>>, vector<16xf32>,
            tpu.vector_store %arg6[%parallel_loop3A_99], %broadcast_in_dim3A_87 {add = true, strides = array<i32>} : memref<1280xf32, #tpu.memory_space<vmem>>, vector<16xf32>,
            %parallel_loop3A_101 = vector.extract_strided_slice %parallel_loop3A_94 {offsets = [1], sizes = [1], strides = [1]} : vector<16xi32> to vector<1xi32>
            %parallel_loop3A_102 = vector.extract %parallel_loop3A_101[0] : i32 from vector<1xi32>
            %parallel_loop3A_103 = arith.constant 16 : i32
            %parallel_loop3A_104 = arith.muli %parallel_loop3A_102, %parallel_loop3A_103 : i32
            %parallel_loop3A_105 = arith.index_cast %parallel_loop3A_104 : i32 to index
            %parallel_loop3A_106 = tpu.vector_load %arg6[%parallel_loop3A_105] {strides = array<i32>} : memref<1280xf32, #tpu.memory_space<vmem>>, vector<16xf32>,
            tpu.vector_store %arg6[%parallel_loop3A_105], %broadcast_in_dim3A_87 {add = true, strides = array<i32>} : memref<1280xf32, #tpu.memory_space<vmem>>, vector<16xf32>,
            %parallel_loop3A_107 = vector.extract_strided_slice %parallel_loop3A_94 {offsets = [2], sizes = [1], strides = [1]} : vector<16xi32> to vector<1xi32>
            %parallel_loop3A_108 = vector.extract %parallel_loop3A_107[0] : i32 from vector<1xi32>
            %parallel_loop3A_109 = arith.constant 16 : i32
            %parallel_loop3A_110 = arith.muli %parallel_loop3A_108, %parallel_loop3A_109 : i32
            %parallel_loop3A_111 = arith.index_cast %parallel_loop3A_110 : i32 to index
            %parallel_loop3A_112 = tpu.vector_load %arg6[%parallel_loop3A_111] {strides = array<i32>} : memref<1280xf32, #tpu.memory_space<vmem>>, vector<16xf32>,
            tpu.vector_store %arg6[%parallel_loop3A_111], %broadcast_in_dim3A_87 {add = true, strides = array<i32>} : memref<1280xf32, #tpu.memory_space<vmem>>, vector<16xf32>,
            %parallel_loop3A_113 = vector.extract_strided_slice %parallel_loop3A_94 {offsets = [3], sizes = [1], strides = [1]} : vector<16xi32> to vector<1xi32>
            %parallel_loop3A_114 = vector.extract %parallel_loop3A_113[0] : i32 from vector<1xi32>
            %parallel_loop3A_115 = arith.constant 16 : i32
            %parallel_loop3A_116 = arith.muli %parallel_loop3A_114, %parallel_loop3A_115 : i32
            %parallel_loop3A_117 = arith.index_cast %parallel_loop3A_116 : i32 to index
            %parallel_loop3A_118 = tpu.vector_load %arg6[%parallel_loop3A_117] {strides = array<i32>} : memref<1280xf32, #tpu.memory_space<vmem>>, vector<16xf32>,
            tpu.vector_store %arg6[%parallel_loop3A_117], %broadcast_in_dim3A_87 {add = true, strides = array<i32>} : memref<1280xf32, #tpu.memory_space<vmem>>, vector<16xf32>,
            %parallel_loop3A_119 = vector.extract_strided_slice %parallel_loop3A_94 {offsets = [4], sizes = [1], strides = [1]} : vector<16xi32> to vector<1xi32>
            %parallel_loop3A_120 = vector.extract %parallel_loop3A_119[0] : i32 from vector<1xi32>
            %parallel_loop3A_121 = arith.constant 16 : i32
            %parallel_loop3A_122 = arith.muli %parallel_loop3A_120, %parallel_loop3A_121 : i32
            %parallel_loop3A_123 = arith.index_cast %parallel_loop3A_122 : i32 to index
            %parallel_loop3A_124 = tpu.vector_load %arg6[%parallel_loop3A_123] {strides = array<i32>} : memref<1280xf32, #tpu.memory_space<vmem>>, vector<16xf32>,
            tpu.vector_store %arg6[%parallel_loop3A_123], %broadcast_in_dim3A_87 {add = true, strides = array<i32>} : memref<1280xf32, #tpu.memory_space<vmem>>, vector<16xf32>,
            %parallel_loop3A_125 = vector.extract_strided_slice %parallel_loop3A_94 {offsets = [5], sizes = [1], strides = [1]} : vector<16xi32> to vector<1xi32>
            %parallel_loop3A_126 = vector.extract %parallel_loop3A_125[0] : i32 from vector<1xi32>
            %parallel_loop3A_127 = arith.constant 16 : i32
            %parallel_loop3A_128 = arith.muli %parallel_loop3A_126, %parallel_loop3A_127 : i32
            %parallel_loop3A_129 = arith.index_cast %parallel_loop3A_128 : i32 to index
            %parallel_loop3A_130 = tpu.vector_load %arg6[%parallel_loop3A_129] {strides = array<i32>} : memref<1280xf32, #tpu.memory_space<vmem>>, vector<16xf32>,
            tpu.vector_store %arg6[%parallel_loop3A_129], %broadcast_in_dim3A_87 {add = true, strides = array<i32>} : memref<1280xf32, #tpu.memory_space<vmem>>, vector<16xf32>,
            %parallel_loop3A_131 = vector.extract_strided_slice %parallel_loop3A_94 {offsets = [6], sizes = [1], strides = [1]} : vector<16xi32> to vector<1xi32>
            %parallel_loop3A_132 = vector.extract %parallel_loop3A_131[0] : i32 from vector<1xi32>
            %parallel_loop3A_133 = arith.constant 16 : i32
            %parallel_loop3A_134 = arith.muli %parallel_loop3A_132, %parallel_loop3A_133 : i32
            %parallel_loop3A_135 = arith.index_cast %parallel_loop3A_134 : i32 to index
            %parallel_loop3A_136 = tpu.vector_load %arg6[%parallel_loop3A_135] {strides = array<i32>} : memref<1280xf32, #tpu.memory_space<vmem>>, vector<16xf32>,
            tpu.vector_store %arg6[%parallel_loop3A_135], %broadcast_in_dim3A_87 {add = true, strides = array<i32>} : memref<1280xf32, #tpu.memory_space<vmem>>, vector<16xf32>,
            %parallel_loop3A_137 = vector.extract_strided_slice %parallel_loop3A_94 {offsets = [7], sizes = [1], strides = [1]} : vector<16xi32> to vector<1xi32>
            %parallel_loop3A_138 = vector.extract %parallel_loop3A_137[0] : i32 from vector<1xi32>
            %parallel_loop3A_139 = arith.constant 16 : i32
            %parallel_loop3A_140 = arith.muli %parallel_loop3A_138, %parallel_loop3A_139 : i32
            %parallel_loop3A_141 = arith.index_cast %parallel_loop3A_140 : i32 to index
            %parallel_loop3A_142 = tpu.vector_load %arg6[%parallel_loop3A_141] {strides = array<i32>} : memref<1280xf32, #tpu.memory_space<vmem>>, vector<16xf32>,
            tpu.vector_store %arg6[%parallel_loop3A_141], %broadcast_in_dim3A_87 {add = true, strides = array<i32>} : memref<1280xf32, #tpu.memory_space<vmem>>, vector<16xf32>,
            %parallel_loop3A_143 = vector.extract_strided_slice %parallel_loop3A_94 {offsets = [8], sizes = [1], strides = [1]} : vector<16xi32> to vector<1xi32>
            %parallel_loop3A_144 = vector.extract %parallel_loop3A_143[0] : i32 from vector<1xi32>
            %parallel_loop3A_145 = arith.constant 16 : i32
            %parallel_loop3A_146 = arith.muli %parallel_loop3A_144, %parallel_loop3A_145 : i32
            %parallel_loop3A_147 = arith.index_cast %parallel_loop3A_146 : i32 to index
            %parallel_loop3A_148 = tpu.vector_load %arg6[%parallel_loop3A_147] {strides = array<i32>} : memref<1280xf32, #tpu.memory_space<vmem>>, vector<16xf32>,
            tpu.vector_store %arg6[%parallel_loop3A_147], %broadcast_in_dim3A_87 {add = true, strides = array<i32>} : memref<1280xf32, #tpu.memory_space<vmem>>, vector<16xf32>,
            %parallel_loop3A_149 = vector.extract_strided_slice %parallel_loop3A_94 {offsets = [9], sizes = [1], strides = [1]} : vector<16xi32> to vector<1xi32>
            %parallel_loop3A_150 = vector.extract %parallel_loop3A_149[0] : i32 from vector<1xi32>
            %parallel_loop3A_151 = arith.constant 16 : i32
            %parallel_loop3A_152 = arith.muli %parallel_loop3A_150, %parallel_loop3A_151 : i32
            %parallel_loop3A_153 = arith.index_cast %parallel_loop3A_152 : i32 to index
            %parallel_loop3A_154 = tpu.vector_load %arg6[%parallel_loop3A_153] {strides = array<i32>} : memref<1280xf32, #tpu.memory_space<vmem>>, vector<16xf32>,
            tpu.vector_store %arg6[%parallel_loop3A_153], %broadcast_in_dim3A_87 {add = true, strides = array<i32>} : memref<1280xf32, #tpu.memory_space<vmem>>, vector<16xf32>,
            %parallel_loop3A_155 = vector.extract_strided_slice %parallel_loop3A_94 {offsets = [10], sizes = [1], strides = [1]} : vector<16xi32> to vector<1xi32>
            %parallel_loop3A_156 = vector.extract %parallel_loop3A_155[0] : i32 from vector<1xi32>
            %parallel_loop3A_157 = arith.constant 16 : i32
            %parallel_loop3A_158 = arith.muli %parallel_loop3A_156, %parallel_loop3A_157 : i32
            %parallel_loop3A_159 = arith.index_cast %parallel_loop3A_158 : i32 to index
            %parallel_loop3A_160 = tpu.vector_load %arg6[%parallel_loop3A_159] {strides = array<i32>} : memref<1280xf32, #tpu.memory_space<vmem>>, vector<16xf32>,
            tpu.vector_store %arg6[%parallel_loop3A_159], %broadcast_in_dim3A_87 {add = true, strides = array<i32>} : memref<1280xf32, #tpu.memory_space<vmem>>, vector<16xf32>,
            %parallel_loop3A_161 = vector.extract_strided_slice %parallel_loop3A_94 {offsets = [11], sizes = [1], strides = [1]} : vector<16xi32> to vector<1xi32>
            %parallel_loop3A_162 = vector.extract %parallel_loop3A_161[0] : i32 from vector<1xi32>
            %parallel_loop3A_163 = arith.constant 16 : i32
            %parallel_loop3A_164 = arith.muli %parallel_loop3A_162, %parallel_loop3A_163 : i32
            %parallel_loop3A_165 = arith.index_cast %parallel_loop3A_164 : i32 to index
            %parallel_loop3A_166 = tpu.vector_load %arg6[%parallel_loop3A_165] {strides = array<i32>} : memref<1280xf32, #tpu.memory_space<vmem>>, vector<16xf32>,
            tpu.vector_store %arg6[%parallel_loop3A_165], %broadcast_in_dim3A_87 {add = true, strides = array<i32>} : memref<1280xf32, #tpu.memory_space<vmem>>, vector<16xf32>,
            %parallel_loop3A_167 = vector.extract_strided_slice %parallel_loop3A_94 {offsets = [12], sizes = [1], strides = [1]} : vector<16xi32> to vector<1xi32>
            %parallel_loop3A_168 = vector.extract %parallel_loop3A_167[0] : i32 from vector<1xi32>
            %parallel_loop3A_169 = arith.constant 16 : i32
            %parallel_loop3A_170 = arith.muli %parallel_loop3A_168, %parallel_loop3A_169 : i32
            %parallel_loop3A_171 = arith.index_cast %parallel_loop3A_170 : i32 to index
            %parallel_loop3A_172 = tpu.vector_load %arg6[%parallel_loop3A_171] {strides = array<i32>} : memref<1280xf32, #tpu.memory_space<vmem>>, vector<16xf32>,
            tpu.vector_store %arg6[%parallel_loop3A_171], %broadcast_in_dim3A_87 {add = true, strides = array<i32>} : memref<1280xf32, #tpu.memory_space<vmem>>, vector<16xf32>,
            %parallel_loop3A_173 = vector.extract_strided_slice %parallel_loop3A_94 {offsets = [13], sizes = [1], strides = [1]} : vector<16xi32> to vector<1xi32>
            %parallel_loop3A_174 = vector.extract %parallel_loop3A_173[0] : i32 from vector<1xi32>
            %parallel_loop3A_175 = arith.constant 16 : i32
            %parallel_loop3A_176 = arith.muli %parallel_loop3A_174, %parallel_loop3A_175 : i32
            %parallel_loop3A_177 = arith.index_cast %parallel_loop3A_176 : i32 to index
            %parallel_loop3A_178 = tpu.vector_load %arg6[%parallel_loop3A_177] {strides = array<i32>} : memref<1280xf32, #tpu.memory_space<vmem>>, vector<16xf32>,
            tpu.vector_store %arg6[%parallel_loop3A_177], %broadcast_in_dim3A_87 {add = true, strides = array<i32>} : memref<1280xf32, #tpu.memory_space<vmem>>, vector<16xf32>,
            %parallel_loop3A_179 = vector.extract_strided_slice %parallel_loop3A_94 {offsets = [14], sizes = [1], strides = [1]} : vector<16xi32> to vector<1xi32>
            %parallel_loop3A_180 = vector.extract %parallel_loop3A_179[0] : i32 from vector<1xi32>
            %parallel_loop3A_181 = arith.constant 16 : i32
            %parallel_loop3A_182 = arith.muli %parallel_loop3A_180, %parallel_loop3A_181 : i32
            %parallel_loop3A_183 = arith.index_cast %parallel_loop3A_182 : i32 to index
            %parallel_loop3A_184 = tpu.vector_load %arg6[%parallel_loop3A_183] {strides = array<i32>} : memref<1280xf32, #tpu.memory_space<vmem>>, vector<16xf32>,
            tpu.vector_store %arg6[%parallel_loop3A_183], %broadcast_in_dim3A_87 {add = true, strides = array<i32>} : memref<1280xf32, #tpu.memory_space<vmem>>, vector<16xf32>,
            %parallel_loop3A_185 = vector.extract_strided_slice %parallel_loop3A_94 {offsets = [15], sizes = [1], strides = [1]} : vector<16xi32> to vector<1xi32>
            %parallel_loop3A_186 = vector.extract %parallel_loop3A_185[0] : i32 from vector<1xi32>
            %parallel_loop3A_187 = arith.constant 16 : i32
            %parallel_loop3A_188 = arith.muli %parallel_loop3A_186, %parallel_loop3A_187 : i32
            %parallel_loop3A_189 = arith.index_cast %parallel_loop3A_188 : i32 to index
            %parallel_loop3A_190 = tpu.vector_load %arg6[%parallel_loop3A_189] {strides = array<i32>} : memref<1280xf32, #tpu.memory_space<vmem>>, vector<16xf32>,
            tpu.vector_store %arg6[%parallel_loop3A_189], %broadcast_in_dim3A_87 {add = true, strides = array<i32>} : memref<1280xf32, #tpu.memory_space<vmem>>, vector<16xf32>,
          } {sc.loop_unroll_factor = 1 : i64, sc.parallel_access}
        } else {
        }
      }
    } else {
    }
    "tpu.region"() ({
      %run_scoped3A = tpu.sem_alloc : memref<!tpu.dma_semaphore, #tpu.memory_space<semaphore_mem>>
      %dma_start3A = arith.constant 0 : i32
      %dma_start3A_15 = tpu.memref_slice %arg3[%add3A, %dma_start3A] : memref<16x1280xf32, #tpu.memory_space<hbm>> -> memref<1x1280xf32, #tpu.memory_space<hbm>>
      %dma_start3A_16 = tpu.memref_squeeze %dma_start3A_15 : memref<1x1280xf32, #tpu.memory_space<hbm>> -> memref<1280xf32, #tpu.memory_space<hbm>>
      %dma_start3A_17 = arith.constant 0 : i32
      %dma_start3A_18 = tpu.memref_slice %arg3[%add3A, %dma_start3A_17] : memref<16x1280xf32, #tpu.memory_space<hbm>> -> memref<1x1280xf32, #tpu.memory_space<hbm>>
      %dma_start3A_19 = tpu.memref_squeeze %dma_start3A_18 : memref<1x1280xf32, #tpu.memory_space<hbm>> -> memref<1280xf32, #tpu.memory_space<hbm>>
      tpu.enqueue_dma source(%arg6 : memref<1280xf32, #tpu.memory_space<vmem>>) target(%dma_start3A_19 : memref<1280xf32, #tpu.memory_space<hbm>>) target_semaphore(%run_scoped3A : memref<!tpu.dma_semaphore, #tpu.memory_space<semaphore_mem>>)
      %dma_wait3A = arith.constant 0 : i32
      %dma_wait3A_20 = tpu.memref_slice %arg3[%add3A, %dma_wait3A] : memref<16x1280xf32, #tpu.memory_space<hbm>> -> memref<1x1280xf32, #tpu.memory_space<hbm>>
      %dma_wait3A_21 = tpu.memref_squeeze %dma_wait3A_20 : memref<1x1280xf32, #tpu.memory_space<hbm>> -> memref<1280xf32, #tpu.memory_space<hbm>>
      %dma_wait3A_22 = arith.constant 0 : i32
      %dma_wait3A_23 = tpu.memref_slice %arg3[%add3A, %dma_wait3A_22] : memref<16x1280xf32, #tpu.memory_space<hbm>> -> memref<1x1280xf32, #tpu.memory_space<hbm>>
      %dma_wait3A_24 = tpu.memref_squeeze %dma_wait3A_23 : memref<1x1280xf32, #tpu.memory_space<hbm>> -> memref<1280xf32, #tpu.memory_space<hbm>>
      tpu.wait_dma2 semaphore(%run_scoped3A : memref<!tpu.dma_semaphore, #tpu.memory_space<semaphore_mem>>) src(%arg6 : memref<1280xf32, #tpu.memory_space<vmem>>) dst(%dma_wait3A_24 : memref<1280xf32, #tpu.memory_space<hbm>>)
      tpu.yield
    }) : () -> ()
    return
  }
}

module attributes {stable_mosaic.version = 14 : i64} {
  func.func @_tc_matmul_body(%arg0: i32, %arg1: memref<1x1x10000xi32, #tpu.memory_space<vmem>>, %arg2: memref<10000x256xf32, #tpu.memory_space<vmem>>, %arg3: memref<80x256xf32, #tpu.memory_space<vmem>>) attributes {dimension_semantics = [#tpu.dimension_semantics<arbitrary>], iteration_bounds = array<i64: 10>, scalar_prefetch = 0 : i64, scratch_operands = 0 : i64, tpu.core_type = #tpu.core_type<tc>, window_params = [{transform_indices = @transform_0, window_bounds = array<i64: 1, 1, 10000>}, {transform_indices = @transform_1, window_bounds = array<i64: 10000, 256>}, {pipeline_mode = #tpu.pipeline_mode<synchronous>, transform_indices = @transform_2, window_bounds = array<i64: 80, 256>}]} {
    %iota3A = tpu.iota {dimensions = array<i32: 0>} : vector<80x10000xi32>
    %get3A = arith.constant 0 : index
    %get3A_0 = arith.constant 0 : index
    %get3A_1 = arith.constant 0 : index
    %get3A_2 = vector.load %arg1[%get3A, %get3A_0, %get3A_1] : memref<1x1x10000xi32, #tpu.memory_space<vmem>>, vector<1x1x10000xi32>
    %get3A_3 = vector.shape_cast %get3A_2 : vector<1x1x10000xi32> to vector<1x10000xi32>
    %eq3A = vector.broadcast %get3A_3 : vector<1x10000xi32> to vector<80x10000xi32>
    %eq3A_4 = arith.cmpi eq, %eq3A, %iota3A : vector<80x10000xi32>
    %convert_element_type3A = arith.extui %eq3A_4 : vector<80x10000xi1> to vector<80x10000xi32>
    %convert_element_type3A_5 = arith.sitofp %convert_element_type3A : vector<80x10000xi32> to vector<80x10000xf32>
    %get3A_6 = arith.constant 0 : index
    %get3A_7 = arith.constant 0 : index
    %get3A_8 = vector.load %arg2[%get3A_6, %get3A_7] : memref<10000x256xf32, #tpu.memory_space<vmem>>, vector<10000x256xf32>
    %dot_general3A = arith.constant dense<0.000000e+00> : vector<80x256xf32>
    %dot_general3A_9 = tpu.matmul %convert_element_type3A_5, %get3A_8, %dot_general3A {dimension_numbers = #tpu.dot_dimension_numbers<[1], [0], [0], [1], [0, 0, 1, 1], [], []>, transpose_lhs_hint = false} : vector<80x10000xf32>, vector<10000x256xf32>, vector<80x256xf32> -> vector<80x256xf32>
    %eq3A_10 = arith.constant 0 : i32
    %eq3A_11 = arith.cmpi eq, %arg0, %eq3A_10 : i32
    %convert_element_type3A_12 = arith.extui %eq3A_11 : i1 to i32
    %cond3A = arith.constant 0 : i32
    %cond3A_13 = arith.cmpi ne, %convert_element_type3A_12, %cond3A : i32
    scf.if %cond3A_13 {
      %swap3A = arith.constant 0 : index
      %swap3A_18 = arith.constant 0 : index
      %swap3A_19 = vector.load %arg3[%swap3A, %swap3A_18] : memref<80x256xf32, #tpu.memory_space<vmem>>, vector<80x256xf32>
      tpu.vector_store %arg3[%swap3A, %swap3A_18], %dot_general3A_9 {strides = array<i32>} : memref<80x256xf32, #tpu.memory_space<vmem>>, vector<80x256xf32>,
    } else {
    }
    %gt3A = arith.constant 0 : i32
    %gt3A_14 = arith.cmpi sgt, %arg0, %gt3A : i32
    %convert_element_type3A_15 = arith.extui %gt3A_14 : i1 to i32
    %cond3A_16 = arith.constant 0 : i32
    %cond3A_17 = arith.cmpi ne, %convert_element_type3A_15, %cond3A_16 : i32
    scf.if %cond3A_17 {
      %get3A_18 = arith.constant 0 : index
      %get3A_19 = arith.constant 0 : index
      %get3A_20 = vector.load %arg3[%get3A_18, %get3A_19] : memref<80x256xf32, #tpu.memory_space<vmem>>, vector<80x256xf32>
      %add3A = arith.addf %get3A_20, %dot_general3A_9 : vector<80x256xf32>
      %swap3A = arith.constant 0 : index
      %swap3A_21 = arith.constant 0 : index
      %swap3A_22 = vector.load %arg3[%swap3A, %swap3A_21] : memref<80x256xf32, #tpu.memory_space<vmem>>, vector<80x256xf32>
      tpu.vector_store %arg3[%swap3A, %swap3A_21], %add3A {strides = array<i32>} : memref<80x256xf32, #tpu.memory_space<vmem>>, vector<80x256xf32>,
    } else {
    }
    return
  }
  func.func @transform_0(%arg0: i32) -> (i32, i32, i32) {
    %c0_i32 = arith.constant 0 : i32
    %c0_i32_0 = arith.constant 0 : i32
    %c0_i32_1 = arith.constant 0 : i32
    return %arg0, %c0_i32, %c0_i32_0 : i32, i32, i32
  }
  func.func @transform_1(%arg0: i32) -> (i32, i32) {
    %c0_i32 = arith.constant 0 : i32
    %c0_i32_0 = arith.constant 0 : i32
    return %arg0, %c0_i32 : i32, i32
  }
  func.func @transform_2(%arg0: i32) -> (i32, i32) {
    %c0_i32 = arith.constant 0 : i32
    %c0_i32_0 = arith.constant 0 : i32
    %c0_i32_1 = arith.constant 0 : i32
    return %c0_i32, %c0_i32_0 : i32, i32
  }
}

module attributes {stable_mosaic.version = 14 : i64} {
  func.func @_tc_loss_body(%arg0: memref<80x256xf32, #tpu.memory_space<vmem>>, %arg1: memref<16x1280xf32, #tpu.memory_space<vmem>>, %arg2: memref<80x256xf32, #tpu.memory_space<vmem>>, %arg3: memref<1x1xf32, #tpu.memory_space<vmem>>) attributes {dimension_semantics = [], scalar_prefetch = 0 : i64, scratch_operands = 0 : i64, tpu.core_type = #tpu.core_type<tc>} {
    %get3A = arith.constant 0 : index
    %get3A_0 = arith.constant 0 : index
    %get3A_1 = vector.load %arg0[%get3A, %get3A_0] : memref<80x256xf32, #tpu.memory_space<vmem>>, vector<80x256xf32>
    %get3A_2 = arith.constant 0 : index
    %get3A_3 = arith.constant 0 : index
    %get3A_4 = vector.load %arg1[%get3A_2, %get3A_3] : memref<16x1280xf32, #tpu.memory_space<vmem>>, vector<16x1280xf32>
    %reduce_sum3A = arith.constant dense<0.000000e+00> : vector<1280xf32>
    %reduce_sum3A_5 = vector.multi_reduction <add>, %get3A_4, %reduce_sum3A [0] : vector<16x1280xf32> to vector<1280xf32>
    %broadcast_in_dim3A = vector.shape_cast %reduce_sum3A_5 : vector<1280xf32> to vector<1x1280xf32>
    %iota3A = tpu.iota {dimensions = array<i32: 1>} : vector<80x1280xi32>
    %iota3A_6 = tpu.iota {dimensions = array<i32: 0>} : vector<80x1280xi32>
    %mul3A = arith.constant 16 : i32
    %mul3A_7 = vector.broadcast %mul3A : i32 to vector<80x1280xi32>
    %mul3A_8 = arith.muli %iota3A_6, %mul3A_7 : vector<80x1280xi32>
    %eq3A = arith.cmpi eq, %iota3A, %mul3A_8 : vector<80x1280xi32>
    %convert_element_type3A = arith.extui %eq3A : vector<80x1280xi1> to vector<80x1280xi32>
    %convert_element_type3A_9 = arith.sitofp %convert_element_type3A : vector<80x1280xi32> to vector<80x1280xf32>
    %dot_general3A = arith.constant dense<0.000000e+00> : vector<80x1xf32>
    %dot_general3A_10 = tpu.matmul %convert_element_type3A_9, %broadcast_in_dim3A, %dot_general3A {dimension_numbers = #tpu.dot_dimension_numbers<[1], [1], [0], [0], [0, 0, 1, 0], [], []>, transpose_lhs_hint = false} : vector<80x1280xf32>, vector<1x1280xf32>, vector<80x1xf32> -> vector<80x1xf32>
    %gt3A = arith.constant 0.000000e+00 : f32
    %gt3A_11 = vector.broadcast %gt3A : f32 to vector<80x1xf32>
    %gt3A_12 = arith.cmpf ogt, %dot_general3A_10, %gt3A_11 : vector<80x1xf32>
    %max3A = arith.constant 1.000000e+00 : f32
    %max3A_13 = vector.broadcast %max3A : f32 to vector<80x1xf32>
    %max3A_14 = arith.maximumf %dot_general3A_10, %max3A_13 : vector<80x1xf32>
    %div3A = vector.broadcast %max3A_14 : vector<80x1xf32> to vector<80x256xf32>
    %div3A_15 = arith.divf %get3A_1, %div3A : vector<80x256xf32>
    %jit3A = arith.constant 0.00999999977 : f32
    %broadcast_in_dim3A_16 = vector.shape_cast %gt3A_12 : vector<80x1xi1> to vector<80x1xi1>
    %broadcast_in_dim3A_17 = vector.broadcast %broadcast_in_dim3A_16 : vector<80x1xi1> to vector<80x256xi1>
    %broadcast_in_dim3A_18 = vector.broadcast %jit3A : f32 to vector<80x256xf32>
    %select_n3A = arith.select %broadcast_in_dim3A_17, %div3A_15, %broadcast_in_dim3A_18 : vector<80x256xi1>, vector<80x256xf32>
    %get3A_19 = arith.constant 0 : index
    %get3A_20 = arith.constant 0 : index
    %get3A_21 = vector.load %arg2[%get3A_19, %get3A_20] : memref<80x256xf32, #tpu.memory_space<vmem>>, vector<80x256xf32>
    %mul3A_22 = arith.mulf %get3A_21, %get3A_21 : vector<80x256xf32>
    %reduce_sum3A_23 = arith.constant dense<0.000000e+00> : vector<80xf32>
    %reduce_sum3A_24 = vector.multi_reduction <add>, %mul3A_22, %reduce_sum3A_23 [1] : vector<80x256xf32> to vector<80xf32>
    %broadcast_in_dim3A_25 = vector.shape_cast %reduce_sum3A_24 : vector<80xf32> to vector<80x1xf32>
    %sqrt3A = math.sqrt %broadcast_in_dim3A_25 : vector<80x1xf32>
    %div3A_26 = vector.broadcast %sqrt3A : vector<80x1xf32> to vector<80x256xf32>
    %div3A_27 = arith.divf %get3A_21, %div3A_26 : vector<80x256xf32>
    %mul3A_28 = arith.mulf %select_n3A, %select_n3A : vector<80x256xf32>
    %reduce_sum3A_29 = arith.constant dense<0.000000e+00> : vector<80xf32>
    %reduce_sum3A_30 = vector.multi_reduction <add>, %mul3A_28, %reduce_sum3A_29 [1] : vector<80x256xf32> to vector<80xf32>
    %broadcast_in_dim3A_31 = vector.shape_cast %reduce_sum3A_30 : vector<80xf32> to vector<80x1xf32>
    %sqrt3A_32 = math.sqrt %broadcast_in_dim3A_31 : vector<80x1xf32>
    %div3A_33 = vector.broadcast %sqrt3A_32 : vector<80x1xf32> to vector<80x256xf32>
    %div3A_34 = arith.divf %select_n3A, %div3A_33 : vector<80x256xf32>
    %dot_general3A_35 = arith.constant dense<0.000000e+00> : vector<80x80xf32>
    %dot_general3A_36 = tpu.matmul %div3A_27, %div3A_34, %dot_general3A_35 {dimension_numbers = #tpu.dot_dimension_numbers<[1], [1], [0], [0], [0, 0, 1, 0], [], []>, transpose_lhs_hint = false} : vector<80x256xf32>, vector<80x256xf32>, vector<80x80xf32> -> vector<80x80xf32>
    %div3A_37 = arith.constant 7.000000e-02 : f32
    %div3A_38 = vector.broadcast %div3A_37 : f32 to vector<80x80xf32>
    %div3A_39 = arith.divf %dot_general3A_36, %div3A_38 : vector<80x80xf32>
    %logistic3A = arith.negf %div3A_39 : vector<80x80xf32>
    %logistic3A_40 = math.exp %logistic3A : vector<80x80xf32>
    %logistic3A_41 = arith.constant 1.000000e+00 : f32
    %logistic3A_42 = vector.broadcast %logistic3A_41 : f32 to vector<80x80xf32>
    %logistic3A_43 = arith.addf %logistic3A_42, %logistic3A_40 : vector<80x80xf32>
    %logistic3A_44 = arith.divf %logistic3A_42, %logistic3A_43 : vector<80x80xf32>
    %log3A = math.log %logistic3A_44 : vector<80x80xf32>
    %max3A_45 = arith.constant -1.000000e+02 : f32
    %max3A_46 = vector.broadcast %max3A_45 : f32 to vector<80x80xf32>
    %max3A_47 = arith.maximumf %log3A, %max3A_46 : vector<80x80xf32>
    %sub3A = arith.constant 1.000000e+00 : f32
    %sub3A_48 = vector.broadcast %sub3A : f32 to vector<80x80xf32>
    %sub3A_49 = arith.subf %sub3A_48, %logistic3A_44 : vector<80x80xf32>
    %log3A_50 = math.log %sub3A_49 : vector<80x80xf32>
    %max3A_51 = arith.constant -1.000000e+02 : f32
    %max3A_52 = vector.broadcast %max3A_51 : f32 to vector<80x80xf32>
    %max3A_53 = arith.maximumf %log3A_50, %max3A_52 : vector<80x80xf32>
    %iota3A_54 = tpu.iota {dimensions = array<i32: 0>} : vector<80x80xi32>
    %iota3A_55 = tpu.iota {dimensions = array<i32: 1>} : vector<80x80xi32>
    %eq3A_56 = arith.cmpi eq, %iota3A_54, %iota3A_55 : vector<80x80xi32>
    %neg3A = arith.constant 0.000000e+00 : f32
    %neg3A_57 = vector.broadcast %neg3A : f32 to vector<80x80xf32>
    %neg3A_58 = arith.subf %neg3A_57, %max3A_47 : vector<80x80xf32>
    %neg3A_59 = arith.constant 0.000000e+00 : f32
    %neg3A_60 = vector.broadcast %neg3A_59 : f32 to vector<80x80xf32>
    %neg3A_61 = arith.subf %neg3A_60, %max3A_53 : vector<80x80xf32>
    %select_n3A_62 = arith.select %eq3A_56, %neg3A_58, %neg3A_61 : vector<80x80xi1>, vector<80x80xf32>
    %convert_element_type3A_63 = arith.extui %gt3A_12 : vector<80x1xi1> to vector<80x1xi32>
    %convert_element_type3A_64 = arith.sitofp %convert_element_type3A_63 : vector<80x1xi32> to vector<80x1xf32>
    %reduce_sum3A_65 = vector.shape_cast %convert_element_type3A_64 : vector<80x1xf32> to vector<1x80x1xf32>
    %reduce_sum3A_66 = arith.constant dense<0.000000e+00> : vector<1xf32>
    %reduce_sum3A_67 = vector.multi_reduction <add>, %reduce_sum3A_65, %reduce_sum3A_66 [1, 2] : vector<1x80x1xf32> to vector<1xf32>
    %reduce_sum3A_68 = vector.shape_cast %reduce_sum3A_67 : vector<1xf32> to vector<1x1x1xf32>
    %reduce_sum3A_69 = vector.extract %reduce_sum3A_68[0, 0, 0] : f32 from vector<1x1x1xf32>
    %mul3A_70 = arith.constant 2.000000e+00 : f32
    %mul3A_71 = arith.mulf %mul3A_70, %reduce_sum3A_69 : f32
    %div3A_72 = arith.constant 1.000000e+00 : f32
    %div3A_73 = arith.divf %div3A_72, %mul3A_71 : f32
    %mul3A_74 = arith.constant 2.000000e+00 : f32
    %mul3A_75 = arith.mulf %mul3A_74, %reduce_sum3A_69 : f32
    %mul3A_76 = arith.constant 7.900000e+01 : f32
    %mul3A_77 = arith.mulf %mul3A_75, %mul3A_76 : f32
    %div3A_78 = arith.constant 1.000000e+00 : f32
    %div3A_79 = arith.divf %div3A_78, %mul3A_77 : f32
    %mul3A_80 = vector.broadcast %div3A_73 : f32 to vector<80x80xf32>
    %mul3A_81 = arith.mulf %select_n3A_62, %mul3A_80 : vector<80x80xf32>
    %mul3A_82 = vector.broadcast %div3A_79 : f32 to vector<80x80xf32>
    %mul3A_83 = arith.mulf %select_n3A_62, %mul3A_82 : vector<80x80xf32>
    %select_n3A_84 = arith.select %eq3A_56, %mul3A_81, %mul3A_83 : vector<80x80xi1>, vector<80x80xf32>
    %reduce_sum3A_85 = arith.constant dense<0.000000e+00> : vector<80xf32>
    %reduce_sum3A_86 = vector.multi_reduction <add>, %select_n3A_84, %reduce_sum3A_85 [0] : vector<80x80xf32> to vector<80xf32>
    %squeeze3A = vector.shape_cast %dot_general3A_10 : vector<80x1xf32> to vector<80xf32>
    %gt3A_87 = arith.constant 0.000000e+00 : f32
    %gt3A_88 = vector.broadcast %gt3A_87 : f32 to vector<80xf32>
    %gt3A_89 = arith.cmpf ogt, %squeeze3A, %gt3A_88 : vector<80xf32>
    %convert_element_type3A_90 = arith.extui %gt3A_89 : vector<80xi1> to vector<80xi32>
    %convert_element_type3A_91 = arith.sitofp %convert_element_type3A_90 : vector<80xi32> to vector<80xf32>
    %mul3A_92 = arith.mulf %reduce_sum3A_86, %convert_element_type3A_91 : vector<80xf32>
    %reduce_sum3A_93 = vector.shape_cast %mul3A_92 : vector<80xf32> to vector<1x80xf32>
    %reduce_sum3A_94 = arith.constant dense<0.000000e+00> : vector<1xf32>
    %reduce_sum3A_95 = vector.multi_reduction <add>, %reduce_sum3A_93, %reduce_sum3A_94 [1] : vector<1x80xf32> to vector<1xf32>
    %reduce_sum3A_96 = vector.shape_cast %reduce_sum3A_95 : vector<1xf32> to vector<1x1xf32>
    %reduce_sum3A_97 = vector.extract %reduce_sum3A_96[0, 0] : f32 from vector<1x1xf32>
    %mul3A_98 = arith.constant 1.000000e+00 : f32
    %mul3A_99 = arith.mulf %reduce_sum3A_97, %mul3A_98 : f32
    %broadcast_in_dim3A_100 = arith.constant 1.000000e+00 : f32
    %broadcast_in_dim3A_101 = vector.broadcast %broadcast_in_dim3A_100 : f32 to vector<1x1xf32>
    %mul3A_102 = vector.broadcast %mul3A_99 : f32 to vector<1x1xf32>
    %mul3A_103 = arith.mulf %mul3A_102, %broadcast_in_dim3A_101 : vector<1x1xf32>
    %swap3A = arith.constant 0 : index
    %swap3A_104 = arith.constant 0 : index
    %swap3A_105 = vector.load %arg3[%swap3A, %swap3A_104] : memref<1x1xf32, #tpu.memory_space<vmem>>, vector<1x1xf32>
    tpu.vector_store %arg3[%swap3A, %swap3A_104], %mul3A_103 {strides = array<i32>} : memref<1x1xf32, #tpu.memory_space<vmem>>, vector<1x1xf32>,
    return
  }
}

</mosaic_0001>

<sc_bundles>
// kernel: kernel.5.cloned.1.call-start
scs
__scs_entry_jumppad:
0x0: {  	(pc) =	sbr.rel $0x88, $3  }
0x1: {  	(tag) =	ssettag $0x0;
	lr =	simm.s32 $0x1  }
0x2: {  	[smem:$0x3F9E] =	sst lr;
	_ =	strace $0xD0000000  }
0x3: {  	_ = 	snop  }
0x4: {  	_ = 	snop  }
0x5: {  	_ = 	snop  }
0x6: {  	_ = 	snop  }
0x7: {  	_ = 	snop  }
__scs_overlays_trampoline_lowered:
0x8: {  	[smem:$0x3FAD] =	sst s0  }
0x9: {  	[smem:$0x3FAE] =	sst s1  }
0xa: {  	[smem:$0x3FAF] =	sst s2  }
0xb: {  	[smem:$0x3FB0] =	sst s3  }
0xc: {  	[smem:$0x3FB1] =	sst s4  }
0xd: {  	[smem:$0x3FB2] =	sst s5  }
0xe: {  	[smem:$0x3FB3] =	sst s6  }
0xf: {  	[smem:$0x3FB4] =	sst s7  }
0x10: {  	[smem:$0x3FB5] =	sst s8  }
0x11: {  	[smem:$0x3FB6] =	sst s9;
	s0 =	simm.s32 @!p0 $0x0  }
0x12: {  	s1 =	sld [smem:$0x3F9C];
	s0 =	simm.s32 @p0 $0x1  }
0x13: {  	[smem:$0x3FB7] =	sst s0;
	s0 =	simm.s32 @!p1 $0x0  }
0x14: {  	s2 =	sld [smem:$0x3F9B];
	s0 =	simm.s32 @p1 $0x1  }
0x15: {  	[smem:$0x3FB8] =	sst s0;
	s0 =	simm.s32 @!p2 $0x0  }
0x16: {  	s3 =	sld [smem:$0x3FDB];
	s0 =	simm.s32 @p2 $0x1  }
0x17: {  	s4 =	simm.s32 $0x1BF5;
	[smem:$0x3FBA] =	sst s0  }
0x18: {  	s0 =	sld [smem:$0x3F9D];
	_ =	swait.ge [sflag:s4], $0x0  }
0x19: {  	s7 =	sld [smem:$0x3F9E]  }
0x1a: {  	s8 =	sadd.s32 $0xFFFFE003, lr  }
0x1b: {  	s9 =	sadd.s32 $0xFFFFFEF7, lr;
	s5 =	simm.s32 $0xFFFFFFFF;
	p2 =	slt.u32 s8, $0xFFFFF086  }
0x1c: {  	p1 =	slt.u32 s9, $0xF7A;
	s5 =	simm.s32 @!p2 $0x0  }
0x1d: {  	s5 =	simm.s32 @p1 $0x1;
	p0 =	seq.s32 s7, s2  }
0x1e: {  	s7 =	smul.u32 @!p0 $0xF7A, s2;
	p2 =	seq.s32 @!p0 s5, $0x0  }
0x1f: {  	s9 =	smul.u32 $0xF7A, s1;
	s8 =	simm.s32 @!p0 $0x1BF5;
	p2 =	por !p2, p0  }
0x20: {  	[sflag:s8] =	ssyncset.s32 @!p0 $0xFFFFF086;
	s6 =	sadd.s32 @!p0 s3, s7;
	s7 =	simm.s32 @!p0 $0x108  }
0x21: {  	s3 =	sadd.s32 s3, s9;
	s6 =	sadd.s32 @!p0 $0x88, s6;
	s7 =	simm.s32 @p2 $0x1082  }
0x22: {  	[simem:s7], [sflag:s8] =	dma.local @!p0 [hbm:s6], $0xF7A  }
0x23: {  	s9 =	sor.u32 $0xD0000000, s2;
	s6 =	simm.s32 $0x108;
	_ =	swait.ge @!p0 [sflag:s8], $0x0  }
0x24: {  	s3 =	sadd.s32 $0x88, s3;
	s6 =	simm.s32 @!p1 $0x1082;
	[sflag:s4] =	ssyncset.s32 $0xFFFFF086  }
0x25: {  	[simem:s6], [sflag:s4] =	dma.local [hbm:s3], $0xF7A  }
0x26: {  	[smem:$0x3F9E] =	sst s1;
	(tag) =	ssettag s2;
	_ =	strace s9  }
0x27: {  	s1 =	sld [smem:$0x3FAE]  }
0x28: {  	s2 =	sld [smem:$0x3FAF]  }
0x29: {  	s4 =	sld [smem:$0x3FB1]  }
0x2a: {  	p0 =	seq.s32 s5, $0x0;
	s5 =	sld [smem:$0x3FB2]  }
0x2b: {  	s6 =	sld [smem:$0x3FB3]  }
0x2c: {  	s7 =	sld [smem:$0x3FB4]  }
0x2d: {  	s3 =	simm.s32 $0x108;
	s8 =	sld [smem:$0x3FB5]  }
0x2e: {  	s3 =	simm.s32 @!p0 $0x1082;
	s9 =	sld [smem:$0x3FB6]  }
0x2f: {  	lr =	sadd.s32 s0, s3;
	s0 =	sld [smem:$0x3FAD]  }
0x30: {  	s3 =	sld [smem:$0x3FB0]  }
0x31: {  	[smem:$0x3FB9] =	sst s10  }
0x32: {  	s10 =	sld [smem:$0x3FB7];
	_ =	sdelay $0x3  }
0x33: {  	p0 =	seq.s32 s10, $0x1;
	s10 =	sld [smem:$0x3FB9];
	_ =	sdelay $0x3  }
0x34: {  	[smem:$0x3FB9] =	sst s10  }
0x35: {  	s10 =	sld [smem:$0x3FB8];
	_ =	sdelay $0x3  }
0x36: {  	p1 =	seq.s32 s10, $0x1;
	s10 =	sld [smem:$0x3FB9];
	_ =	sdelay $0x3  }
0x37: {  	[smem:$0x3FB9] =	sst s10  }
0x38: {  	s10 =	sld [smem:$0x3FBA]  }
0x39: {  	_ = 	snop;
	(pc) =	sbr.ind lr, $3  }
0x3a: {  	_ = 	snop  }
0x3b: {  	_ = 	snop  }
0x3c: {  	p2 =	seq.s32 s10, $0x1;
	s10 =	sld [smem:$0x3FB9]  }
0x3d: {  	_ =	shalt  }
0x3e: {  	_ =	shalt  }
0x3f: {  	_ =	shalt  }
0x40: {  	_ =	shalt  }
0x41: {  	_ =	shalt  }
0x42: {  	_ =	shalt  }
0x43: {  	_ =	shalt  }
0x44: {  	_ =	shalt  }
0x45: {  	_ =	shalt  }
0x46: {  	_ =	shalt  }
0x47: {  	_ =	shalt  }
0x48: {  	_ =	shalt  }
0x49: {  	_ =	shalt  }
0x4a: {  	_ =	shalt  }
0x4b: {  	_ =	shalt  }
0x4c: {  	_ =	shalt  }
0x4d: {  	_ =	shalt  }
0x4e: {  	_ =	shalt  }
0x4f: {  	_ =	shalt  }
0x50: {  	_ =	shalt  }
0x51: {  	_ =	shalt  }
0x52: {  	_ =	shalt  }
0x53: {  	_ =	shalt  }
0x54: {  	_ =	shalt  }
0x55: {  	_ =	shalt  }
0x56: {  	_ =	shalt  }
0x57: {  	_ =	shalt  }
0x58: {  	_ =	shalt  }
0x59: {  	_ =	shalt  }
0x5a: {  	_ =	shalt  }
0x5b: {  	_ =	shalt  }
0x5c: {  	_ =	shalt  }
0x5d: {  	_ =	shalt  }
0x5e: {  	_ =	shalt  }
0x5f: {  	_ =	shalt  }
0x60: {  	_ =	shalt  }
0x61: {  	_ =	shalt  }
0x62: {  	_ =	shalt  }
0x63: {  	_ =	shalt  }
0x64: {  	_ =	shalt  }
0x65: {  	_ =	shalt  }
0x66: {  	_ =	shalt  }
0x67: {  	_ =	shalt  }
0x68: {  	_ =	shalt  }
0x69: {  	_ =	shalt  }
0x6a: {  	_ =	shalt  }
0x6b: {  	_ =	shalt  }
0x6c: {  	_ =	shalt  }
0x6d: {  	_ =	shalt  }
0x6e: {  	_ =	shalt  }
0x6f: {  	_ =	shalt  }
0x70: {  	_ =	shalt  }
0x71: {  	_ =	shalt  }
0x72: {  	_ =	shalt  }
0x73: {  	_ =	shalt  }
0x74: {  	_ =	shalt  }
0x75: {  	_ =	shalt  }
0x76: {  	_ =	shalt  }
0x77: {  	_ =	shalt  }
0x78: {  	_ =	shalt  }
0x79: {  	_ =	shalt  }
0x7a: {  	_ =	shalt  }
0x7b: {  	_ =	shalt  }
0x7c: {  	_ =	shalt  }
0x7d: {  	_ =	shalt  }
0x7e: {  	_ =	shalt  }
0x7f: {  	_ =	shalt  }
0x80: {  	_ =	shalt  }
0x81: {  	_ =	shalt  }
0x82: {  	_ =	shalt  }
0x83: {  	_ =	shalt  }
0x84: {  	_ =	shalt  }
0x85: {  	_ =	shalt  }
0x86: {  	_ =	shalt  }
0x87: {  	_ =	shalt  }
.Lfunc_end0:
.L_simem_size_0:
called_computation_lowered:
.L_overlay_start_0:
0x88: {  	s0 =	sld [smem:$0x3FD9]  }
0x89: {  	s1 =	sld [smem:$0x3FFE];
	_ =	sdelay $0x3  }
0x8a: {  	s0 =	sadd.s32 s1, s0  }
0x8b: {  	[smem:$0x3FC5] =	sst s0  }
0x8c: {  	_ = 	snop  }
0x8d: {  	s0 =	sld [smem:$0x3FC8];
	(tm) =	ssettm $0x1  }
0x8e: {  	s16 =	sld [smem:$0x3FFB];
	_ =	sdelay $0x3  }
0x8f: {  	_ =	strace s16  }
0x90: {  	s1 =	sld [smem:$0x3FFC];
	_ =	sdelay $0x3  }
0x91: {  	_ =	strace s1  }
0x92: {  	s1 =	sld [smem:$0x3FFD];
	_ =	sdelay $0x3  }
0x93: {  	_ =	strace s1  }
0x94: {  	_ =	strace $0x8FFFFFFF  }
0x95: {  	s17 =	sld [smem:$0x3FDB];
	_ =	sdelay $0x1  }
0x96: {  	s2 =	simm.s32 $_scs_section_size  }
0x97: {  	s3 =	simm.s32 $_size__tile_overlayer_lowered;
	s4 =	simm.s32 $_tile_overlayer_lowered  }
0x98: {  	s20 =	simm.s32 $0x1BFF;
	s19 =	sshll.u32 s4, $0x1;
	s1 =	sadd.s32 s2, s17  }
0x99: {  	s5 =	simm.s32 $0x0;
	s18 =	sshll.u32 s3, $0x1;
	s3 =	sadd.s32 s19, s1  }
0x9a: {  	[timem:s5], [sflag:s20] =	dma.local [hbm:s3], s18  }
0x9b: {  	_ =	swait.ge [sflag:s20], s18  }
0x9c: {  	s2 =	ssub.s32 $0x0, s18;
	[sflag:s20] =	ssyncset.done $0x0  }
0x9d: {  	[sflag:s20] =	ssyncadd.s32 s2;
	_ =	sdelay $0x1  }
0x9e: {  	s21 =	simm.s32 $0x1B8B  }
0x9f: {  	_ =	swait.ge [sflag:s21], $0x1  }
0xa0: {  	[sflag:s21] =	ssyncset.done $0x0  }
0xa1: {  	s23 =	simm.s32 $0x1B8E;
	s22 =	sld [smem:$0x3FFE];
	[sflag:s21] =	ssyncadd.s32 $0xFFFFFFFF  }
0xa2: {  	s24 =	simm.s32 $execute0_lowered;
	[smem:$0x3FD2] =	sst s23  }
0xa3: {  	s3 =	sshll.u32 s24, $0x1;
	_ =	strace $0x80000046;
	[dreg:$0x1] =	wrdreg $0xFFFFFFFF  }
0xa4: {  	s25 =	simm.s32 $_size_execute0_lowered;
	s1 =	sadd.s32 s1, s3;
	[dreg:$0x0] =	wrdreg $0x0  }
0xa5: {  	s3 =	sshll.u32 s25, $0x1;
	[dreg:$0x2] =	wrdreg s1  }
0xa6: {  	[dreg:$0x3] =	wrdreg s3  }
0xa7: {  	[dreg:$0x4] =	wrdreg $0xC0  }
0xa8: {  	_ =	task [dreg:s5], $0x5FFFF  }
0xa9: {  	[dreg:$0x1] =	wrdreg $0xFFFFFFFF  }
0xaa: {  	[dreg:$0x0] =	wrdreg $0x60  }
0xab: {  	[dreg:$0x2] =	wrdreg s0  }
0xac: {  	[dreg:$0x3] =	wrdreg s22  }
0xad: {  	[dreg:$0x4] =	wrdreg $0x9  }
0xae: {  	_ =	task.clear_ibuf [dreg:s5], $0x5FFFF;
	_ =	strace $0x90000046  }
0xaf: {  	s26 =	simm.s32 $0x9;
	_ =	strace $0x80000048  }
0xb0: {  	_ =	swait.ge [sflag:s26], $0x1  }
0xb1: {  	[sflag:s26] =	ssyncadd.s32 $0xFFFFFFFF  }
0xb2: {  	_ =	strace $0x90000048  }
0xb3: {  	_ =	sfence  }
0xb4: {  	s28 =	sld [smem:$0x0];
	_ =	sdelay $0x1  }
0xb5: {  	s29 =	srdreg.scid  }
0xb6: {  	s30 =	sshll.u32 s29, $0xD;
	s31 =	sshrl.u32 s29, $0x2  }
0xb7: {  	s2 =	sand.u32 $0x4000, s30;
	s1 =	sand.u32 $0x1, s29;
	s0 =	sadd.s32 s31, s28  }
0xb8: {  	s1 =	sor.u32 s2, s1;
	s0 =	sshll.u32 s0, $0x11  }
0xb9: {  	s0 =	sor.u32 s0, s1  }
0xba: {  	s0 =	sadd.s32 $0x8F2B, s0  }
0xbb: {  	[sflag:s0] =	ssyncadd.remote.s32 $0x1  }
0xbc: {  	_ =	sfence.sel $0xFFFF  }
0xbd: {  	[dreg:$0x0] =	wrdreg $0xFFFFFFFF;
	(pc) =	sbr.abs _section_cstart, $3  }
0xbe: {  	[dreg:$0x1] =	wrdreg $0xFFFFFFFF  }
0xbf: {  	_ =	task.clear_ibuf [dreg:s5], $0x2FFFF;
	_ =	strace $0x9FFFFFFF  }
0xc0: {  	(tm) =	ssettm $0x7FFFFFFF  }
0xc1: {  	_ =	shalt  }
tec
execute0_lowered:
.L_overlay_start_1:
0x0: {  	(tag) =	ssettag $0x1  }
0x1: {  	s1 =	rddreg [dreg:$0x0]  }
0x2: {  	s5 =	rddreg [dreg:$0x1];
	s2 =	simm.s32 $0x0  }
0x3: {  	v0 =	vimm.f32 $0.0e+00;
	[smem:$0x7FF] =	sst s2  }
0x4: {  	s0 =	rddreg [dreg:$0x2];
	_ =	strace $0x80000047;
	[tilespmem:$0x700] =	vst v0  }
0x5: {  	[tilespmem:$0x710] =	vst v0  }
0x6: {  	[tilespmem:$0x720] =	vst v0  }
0x7: {  	[tilespmem:$0x730] =	vst v0  }
0x8: {  	[tilespmem:$0x740] =	vst v0  }
0x9: {  	[tilespmem:$0x750] =	vst v0  }
0xa: {  	[tilespmem:$0x760] =	vst v0  }
0xb: {  	[tilespmem:$0x770] =	vst v0  }
0xc: {  	[tilespmem:$0x780] =	vst v0  }
0xd: {  	[tilespmem:$0x790] =	vst v0  }
0xe: {  	[tilespmem:$0x7A0] =	vst v0  }
0xf: {  	[tilespmem:$0x7B0] =	vst v0  }
0x10: {  	[tilespmem:$0x7C0] =	vst v0  }
0x11: {  	[tilespmem:$0x7D0] =	vst v0  }
0x12: {  	[tilespmem:$0x7E0] =	vst v0  }
0x13: {  	[tilespmem:$0x7F0] =	vst v0  }
0x14: {  	[tilespmem:$0x800] =	vst v0  }
0x15: {  	[tilespmem:$0x810] =	vst v0  }
0x16: {  	[tilespmem:$0x820] =	vst v0  }
0x17: {  	[tilespmem:$0x830] =	vst v0  }
0x18: {  	[tilespmem:$0x840] =	vst v0  }
0x19: {  	[tilespmem:$0x850] =	vst v0  }
0x1a: {  	[tilespmem:$0x860] =	vst v0  }
0x1b: {  	[tilespmem:$0x870] =	vst v0  }
0x1c: {  	[tilespmem:$0x880] =	vst v0  }
0x1d: {  	[tilespmem:$0x890] =	vst v0  }
0x1e: {  	[tilespmem:$0x8A0] =	vst v0  }
0x1f: {  	[tilespmem:$0x8B0] =	vst v0  }
0x20: {  	[tilespmem:$0x8C0] =	vst v0  }
0x21: {  	[tilespmem:$0x8D0] =	vst v0  }
0x22: {  	[tilespmem:$0x8E0] =	vst v0  }
0x23: {  	[tilespmem:$0x8F0] =	vst v0  }
0x24: {  	[tilespmem:$0x900] =	vst v0  }
0x25: {  	[tilespmem:$0x910] =	vst v0  }
0x26: {  	[tilespmem:$0x920] =	vst v0  }
0x27: {  	[tilespmem:$0x930] =	vst v0  }
0x28: {  	[tilespmem:$0x940] =	vst v0  }
0x29: {  	[tilespmem:$0x950] =	vst v0  }
0x2a: {  	[tilespmem:$0x960] =	vst v0  }
0x2b: {  	[tilespmem:$0x970] =	vst v0  }
0x2c: {  	[tilespmem:$0x980] =	vst v0  }
0x2d: {  	[tilespmem:$0x990] =	vst v0  }
0x2e: {  	[tilespmem:$0x9A0] =	vst v0  }
0x2f: {  	[tilespmem:$0x9B0] =	vst v0  }
0x30: {  	[tilespmem:$0x9C0] =	vst v0  }
0x31: {  	[tilespmem:$0x9D0] =	vst v0  }
0x32: {  	[tilespmem:$0x9E0] =	vst v0  }
0x33: {  	[tilespmem:$0x9F0] =	vst v0  }
0x34: {  	[tilespmem:$0xA00] =	vst v0  }
0x35: {  	[tilespmem:$0xA10] =	vst v0  }
0x36: {  	[tilespmem:$0xA20] =	vst v0  }
0x37: {  	[tilespmem:$0xA30] =	vst v0  }
0x38: {  	[tilespmem:$0xA40] =	vst v0  }
0x39: {  	[tilespmem:$0xA50] =	vst v0  }
0x3a: {  	[tilespmem:$0xA60] =	vst v0  }
0x3b: {  	[tilespmem:$0xA70] =	vst v0  }
0x3c: {  	[tilespmem:$0xA80] =	vst v0  }
0x3d: {  	[tilespmem:$0xA90] =	vst v0  }
0x3e: {  	[tilespmem:$0xAA0] =	vst v0  }
0x3f: {  	[tilespmem:$0xAB0] =	vst v0  }
0x40: {  	[tilespmem:$0xAC0] =	vst v0  }
0x41: {  	[tilespmem:$0xAD0] =	vst v0  }
0x42: {  	[tilespmem:$0xAE0] =	vst v0  }
0x43: {  	[tilespmem:$0xAF0] =	vst v0  }
0x44: {  	[tilespmem:$0xB00] =	vst v0  }
0x45: {  	[tilespmem:$0xB10] =	vst v0  }
0x46: {  	[tilespmem:$0xB20] =	vst v0  }
0x47: {  	[tilespmem:$0xB30] =	vst v0  }
0x48: {  	[tilespmem:$0xB40] =	vst v0  }
0x49: {  	[tilespmem:$0xB50] =	vst v0  }
0x4a: {  	[tilespmem:$0xB60] =	vst v0  }
0x4b: {  	[tilespmem:$0xB70] =	vst v0  }
0x4c: {  	[tilespmem:$0xB80] =	vst v0  }
0x4d: {  	s3 =	stileid.u32;
	[tilespmem:$0xB90] =	vst v0  }
0x4e: {  	s4 =	smul.u32 $0x7, s3;
	[tilespmem:$0xBA0] =	vst v0  }
0x4f: {  	s6 =	smin.u32 s3, $0xD;
	[tilespmem:$0xBB0] =	vst v0  }
0x50: {  	[tilespmem:$0xBC0] =	vst v0;
	s4 =	sadd.s32 s6, s4  }
0x51: {  	[tilespmem:$0xBD0] =	vst v0;
	s6 =	smul.u32 $0x64, s4  }
.Ltmp0:
0x52: {  	[tilespmem:$0xBE0] =	vst v0;
	(pc) =	sbr.rel .LBB2_1-.Ltmp0, $4  }
0x53: {  	[tilespmem:$0xBF0] =	vst v0;
	s6 =	sadd.s32 s1, s6  }
0x54: {  	[tilespmem:s2], [sflag:$0x1] =	stream.linear.gather [hbm4b:s6+s2], $0x320, $0x38;
	[tilespmem:$0xC00] =	vst v63  }
0x55: {  	s7 =	simm.s32 $0x1;
	p0 =	slt.u32 s3, $0xD;
	s6 =	simm.s32 $0x8  }
0x56: {  	s8 =	simm.s32 $0x2;
	s5 =	sadd.s32 $0x800, s5;
	v0 =	vimm.f32 $1.000000000e+00;
	s6 =	simm.s32 @!p0 $0x7  }
.LBB2_7:
0x57: {  	(v2sf) =	vpush v2, $0xE  }
0x58: {  	[tilespmem:s14+$0x0] =	vst.add.f32.msk $0xffff, v0;
	s23 =	spop (v2sf);
	(v2sf) =	vpush v1, $0xF  }
0x59: {  	s17 =	spop (v2sf);
	[tilespmem:s23+$0x0] =	vst.add.f32.msk $0xffff, v0;
	(v2sf) =	vpush v1, $0xA  }
0x5a: {  	s24 =	spop (v2sf);
	[tilespmem:s13+$0x0] =	vst.add.f32.msk $0xffff, v0  }
0x5b: {  	(v2sf) =	vpush v2, $0xD;
	s13 =	spop (v2sf);
	[tilespmem:s12+$0x0] =	vst.add.f32.msk $0xffff, v0  }
0x5c: {  	(v2sf) =	vpush v2, $0x9;
	s12 =	spop (v2sf);
	[tilespmem:s10+$0x0] =	vst.add.f32.msk $0xffff, v0  }
0x5d: {  	(v2sf) =	vpush v2, $0xC;
	s25 =	spop (v2sf);
	[tilespmem:s9+$0x0] =	vst.add.f32.msk $0xffff, v0  }
0x5e: {  	s26 =	spop (v2sf);
	(v2sf) =	vpush v2, $0xB;
	[tilespmem:s18+$0x0] =	vst.add.f32.msk $0xffff, v0  }
0x5f: {  	[tilespmem:s25+$0x0] =	vst.add.f32.msk $0xffff, v0;
	s28 =	spop (v2sf);
	(v2sf) =	vpush v2, $0x6  }
0x60: {  	[tilespmem:s16+$0x0] =	vst.add.f32.msk $0xffff, v0;
	s29 =	spop (v2sf)  }
0x61: {  	[tilespmem:s11+$0x0] =	vst.add.f32.msk $0xffff, v0;
	s30 =	spop (v2sf)  }
0x62: {  	[tilespmem:s29+$0x0] =	vst.add.f32.msk $0xffff, v0;
	(v2sf) =	vpush v2, $0xF;
	s31 =	spop (v2sf)  }
0x63: {  	[tilespmem:s24+$0x0] =	vst.add.f32.msk $0xffff, v0;
	(v2sf) =	vpush v2, $0xA;
	s18 =	spop (v2sf)  }
0x64: {  	[tilespmem:s28+$0x0] =	vst.add.f32.msk $0xffff, v0;
	s19 =	spop (v2sf)  }
0x65: {  	[tilespmem:s26+$0x0] =	vst.add.f32.msk $0xffff, v0;
	s20 =	spop (v2sf)  }
0x66: {  	[tilespmem:s31+$0x0] =	vst.add.f32.msk $0xffff, v0;
	s21 =	spop (v2sf)  }
0x67: {  	[tilespmem:s18+$0x0] =	vst.add.f32.msk $0xffff, v0;
	s22 =	spop (v2sf)  }
0x68: {  	[tilespmem:s19+$0x0] =	vst.add.f32.msk $0xffff, v0;
	s23 =	spop (v2sf)  }
0x69: {  	[tilespmem:s23+$0x0] =	vst.add.f32.msk $0xffff, v0  }
0x6a: {  	s24 =	spop (v2sf);
	[tilespmem:s12+$0x0] =	vst.add.f32.msk $0xffff, v0  }
0x6b: {  	s25 =	spop (v2sf);
	[tilespmem:s13+$0x0] =	vst.add.f32.msk $0xffff, v0  }
0x6c: {  	s26 =	spop (v2sf);
	[tilespmem:s17+$0x0] =	vst.add.f32.msk $0xffff, v0  }
0x6d: {  	s28 =	spop (v2sf);
	[tilespmem:s15+$0x0] =	vst.add.f32.msk $0xffff, v0  }
0x6e: {  	s29 =	spop (v2sf);
	[tilespmem:s22+$0x0] =	vst.add.f32.msk $0xffff, v0  }
0x6f: {  	[tilespmem:s29+$0x0] =	vst.add.f32.msk $0xffff, v0  }
0x70: {  	[tilespmem:s20+$0x0] =	vst.add.f32.msk $0xffff, v0  }
0x71: {  	[tilespmem:s30+$0x0] =	vst.add.f32.msk $0xffff, v0;
	s30 =	spop (v2sf)  }
0x72: {  	[tilespmem:s25+$0x0] =	vst.add.f32.msk $0xffff, v0;
	s31 =	spop (v2sf)  }
0x73: {  	[tilespmem:s31+$0x0] =	vst.add.f32.msk $0xffff, v0  }
0x74: {  	[tilespmem:s28+$0x0] =	vst.add.f32.msk $0xffff, v0  }
0x75: {  	[tilespmem:s26+$0x0] =	vst.add.f32.msk $0xffff, v0  }
0x76: {  	[tilespmem:s24+$0x0] =	vst.add.f32.msk $0xffff, v0  }
0x77: {  	[tilespmem:s21+$0x0] =	vst.add.f32.msk $0xffff, v0  }
0x78: {  	[tilespmem:s30+$0x0] =	vst.add.f32.msk $0xffff, v0  }
.LBB2_8:
0x79: {  	p0 =	sne.s32 s2, s6  }
.Ltmp1:
0x7a: {  	_ = 	snop;
	(pc) =	sbr.rel @!p0 .LBB2_9-.Ltmp1, $1  }
0x7b: {  	_ =	sdelay $0x3  }
.LBB2_1:
0x7c: {  	s9 =	smov.u32 s2;
	s2 =	sadd.s32 $0x1, s2  }
0x7d: {  	s10 =	sadd.s32 s4, s2;
	s9 =	sand.u32 $0x1, s9;
	p1 =	sge.u32 s2, s6  }
0x7e: {  	s31 =	sand.u32 $0x1, s2;
	s10 =	smul.u32 $0x320, s10;
	p0 =	seq.s32 s9, $0x1  }
0x7f: {  	p6 =	seq.s32 s31, $0x1;
	p2 =	por !p0, p1  }
0x80: {  	p1 =	por !p6, p1;
	s9 =	sshrl.u32 @!p2 s10, $0x3  }
.Ltmp2:
0x81: {  	s11 =	simm.s32 @!p2 $0x0;
	s9 =	sadd.s32 @!p2 s1, s9;
	(pc) =	sbr.rel @p0 .LBB2_5-.Ltmp2, $4  }
0x82: {  	[tilespmem:s11], [sflag:$0x1] =	stream.linear.gather @!p2 [hbm4b:s9+s11], $0x320, $0x38;
	[tilespmem:$0xC00] =	vst v63  }
0x83: {  	s9 =	sshrl.u32 @!p1 s10, $0x3  }
0x84: {  	s10 =	simm.s32 @!p1 $0x0;
	s11 =	simm.s32 @!p1 $0x380;
	s9 =	sadd.s32 @!p1 s1, s9  }
0x85: {  	[tilespmem:s11], [sflag:$0x2] =	stream.linear.gather @!p1 [hbm4b:s9+s10], $0x320, $0x38;
	[tilespmem:$0xC00] =	vst v63  }
0x86: {  	_ =	swait.ge [sflag:s7], $0x320  }
0x87: {  	[sflag:s7] =	ssyncset.done $0x0  }
0x88: {  	s9 =	simm.s32 $0x0;
	[sflag:s7] =	ssyncadd.s32 $0xFFFFFCE0  }
0x89: {  	v1 =	vld [tilespmem:s9+$0x0];
	_ =	sdelay $0x4  }
0x8a: {  	v1 =	vshll.u32 v1, $0x6  }
0x8b: {  	v1 =	vshra.s32 v1, $0x2  }
0x8c: {  	v2 =	vadd.s32 $0x700, v1  }
0x8d: {  	(v2sf) =	vpush v2, $0x2  }
0x8e: {  	(v2sf) =	vpush v2, $0x1  }
0x8f: {  	(v2sf) =	vpush v2, $0x0  }
0x90: {  	(v2sf) =	vpush v2, $0x8  }
0x91: {  	(v2sf) =	vpush v2, $0x3  }
0x92: {  	s23 =	simm.s32 $0x10;
	(v2sf) =	vpush v2, $0x4  }
0x93: {  	v1 =	vld [tilespmem:s23+$0x0];
	(v2sf) =	vpush v2, $0x5  }
0x94: {  	(v2sf) =	vpush v2, $0x7  }
0x95: {  	(v2sf) =	vpush v2, $0xE  }
0x96: {  	(v2sf) =	vpush v2, $0xD  }
0x97: {  	(v2sf) =	vpush v2, $0x9  }
0x98: {  	v1 =	vshll.u32 v1, $0x6;
	(v2sf) =	vpush v2, $0xC  }
0x99: {  	v1 =	vshra.s32 v1, $0x2;
	(v2sf) =	vpush v2, $0xB  }
0x9a: {  	v1 =	vadd.s32 $0x700, v1;
	(v2sf) =	vpush v2, $0x6  }
0x9b: {  	(v2sf) =	vpush v1, $0x2  }
0x9c: {  	s11 =	spop (v2sf);
	(v2sf) =	vpush v1, $0x1  }
0x9d: {  	s12 =	spop (v2sf);
	(v2sf) =	vpush v1, $0x0  }
0x9e: {  	s10 =	spop (v2sf);
	(v2sf) =	vpush v1, $0x8  }
0x9f: {  	s17 =	spop (v2sf);
	(v2sf) =	vpush v1, $0x3  }
0xa0: {  	s13 =	spop (v2sf);
	(v2sf) =	vpush v1, $0x4  }
0xa1: {  	s15 =	spop (v2sf);
	(v2sf) =	vpush v1, $0x5  }
0xa2: {  	s16 =	spop (v2sf);
	(v2sf) =	vpush v1, $0x7  }
0xa3: {  	s14 =	simm.s32 $0x20;
	s18 =	spop (v2sf);
	(v2sf) =	vpush v1, $0xE  }
0xa4: {  	v3 =	vld [tilespmem:s14+$0x0];
	s9 =	spop (v2sf);
	(v2sf) =	vpush v2, $0xF  }
0xa5: {  	[tilespmem:s10+$0x0] =	vst.add.f32.msk $0xffff, v0;
	s10 =	spop (v2sf)  }
0xa6: {  	[tilespmem:s12+$0x0] =	vst.add.f32.msk $0xffff, v0;
	(v2sf) =	vpush v2, $0xA;
	s14 =	spop (v2sf)  }
0xa7: {  	[tilespmem:s11+$0x0] =	vst.add.f32.msk $0xffff, v0;
	(v2sf) =	vpush v1, $0xD;
	s12 =	spop (v2sf)  }
0xa8: {  	[tilespmem:s13+$0x0] =	vst.add.f32.msk $0xffff, v0;
	(v2sf) =	vpush v1, $0x9;
	s13 =	spop (v2sf)  }
0xa9: {  	[tilespmem:s15+$0x0] =	vst.add.f32.msk $0xffff, v0;
	v2 =	vshll.u32 v3, $0x6;
	(v2sf) =	vpush v1, $0xC;
	s24 =	spop (v2sf)  }
0xaa: {  	[tilespmem:s16+$0x0] =	vst.add.f32.msk $0xffff, v0;
	v2 =	vshra.s32 v2, $0x2;
	(v2sf) =	vpush v1, $0xB;
	s25 =	spop (v2sf)  }
0xab: {  	v2 =	vadd.s32 $0x700, v2;
	(v2sf) =	vpush v1, $0x6;
	[tilespmem:s24+$0x0] =	vst.add.f32.msk $0xffff, v0;
	s26 =	spop (v2sf)  }
0xac: {  	(v2sf) =	vpush v2, $0x2;
	[tilespmem:s18+$0x0] =	vst.add.f32.msk $0xffff, v0;
	s28 =	spop (v2sf)  }
0xad: {  	(v2sf) =	vpush v2, $0x1;
	[tilespmem:s17+$0x0] =	vst.add.f32.msk $0xffff, v0;
	s11 =	spop (v2sf)  }
0xae: {  	[tilespmem:s28+$0x0] =	vst.add.f32.msk $0xffff, v0;
	(v2sf) =	vpush v2, $0x0;
	s29 =	spop (v2sf)  }
0xaf: {  	[tilespmem:s26+$0x0] =	vst.add.f32.msk $0xffff, v0;
	(v2sf) =	vpush v2, $0x8;
	s30 =	spop (v2sf)  }
0xb0: {  	[tilespmem:s25+$0x0] =	vst.add.f32.msk $0xffff, v0;
	(v2sf) =	vpush v2, $0x3;
	s31 =	spop (v2sf)  }
0xb1: {  	[tilespmem:s29+$0x0] =	vst.add.f32.msk $0xffff, v0;
	(v2sf) =	vpush v2, $0x4;
	s16 =	spop (v2sf)  }
0xb2: {  	[tilespmem:s30+$0x0] =	vst.add.f32.msk $0xffff, v0;
	(v2sf) =	vpush v2, $0x5;
	s15 =	spop (v2sf)  }
0xb3: {  	s19 =	simm.s32 $0xC0;
	[tilespmem:s31+$0x0] =	vst.add.f32.msk $0xffff, v0;
	(v2sf) =	vpush v2, $0x7;
	s18 =	spop (v2sf)  }
.LBB2_3:
0xb4: {  	s17 =	smov.u32 s19  }
0xb5: {  	s20 =	sshra.s32 s19, $0x2;
	(v2sf) =	vpush v2, $0xE;
	[tilespmem:s14+$0x0] =	vst.add.f32.msk $0xffff, v0;
	s14 =	spop (v2sf);
	s17 =	sadd.s32 $0x40, s19  }
0xb6: {  	p0 =	seq.s32 s19, $0xC40;
	v3 =	vld [tilespmem:s20+$0x0];
	(v2sf) =	vpush v1, $0xF  }
0xb7: {  	(v2sf) =	vpush v1, $0xA;
	s19 =	spop (v2sf);
	[tilespmem:s14+$0x0] =	vst.add.f32.msk $0xffff, v0;
	v1 =	vmov v2  }
0xb8: {  	s14 =	spop (v2sf);
	[tilespmem:s13+$0x0] =	vst.add.f32.msk $0xffff, v0  }
0xb9: {  	(v2sf) =	vpush v1, $0xD;
	[tilespmem:s12+$0x0] =	vst.add.f32.msk $0xffff, v0;
	s12 =	spop (v2sf)  }
0xba: {  	(v2sf) =	vpush v1, $0x9;
	s13 =	spop (v2sf);
	[tilespmem:s10+$0x0] =	vst.add.f32.msk $0xffff, v0;
	s10 =	smov.u32 s19  }
0xbb: {  	v2 =	vshll.u32 v3, $0x6;
	(v2sf) =	vpush v1, $0xC;
	s19 =	spop (v2sf);
	[tilespmem:s9+$0x0] =	vst.add.f32.msk $0xffff, v0;
	s9 =	smov.u32 s15  }
0xbc: {  	v2 =	vshra.s32 v2, $0x2;
	s15 =	spop (v2sf);
	(v2sf) =	vpush v1, $0xB;
	[tilespmem:s18+$0x0] =	vst.add.f32.msk $0xffff, v0  }
0xbd: {  	v2 =	vadd.s32 $0x700, v2;
	s18 =	spop (v2sf);
	(v2sf) =	vpush v1, $0x6;
	[tilespmem:s19+$0x0] =	vst.add.f32.msk $0xffff, v0  }
0xbe: {  	(v2sf) =	vpush v2, $0x2;
	s19 =	spop (v2sf);
	[tilespmem:s16+$0x0] =	vst.add.f32.msk $0xffff, v0  }
0xbf: {  	(v2sf) =	vpush v2, $0x1;
	[tilespmem:s19+$0x0] =	vst.add.f32.msk $0xffff, v0;
	s19 =	spop (v2sf)  }
0xc0: {  	(v2sf) =	vpush v2, $0x0;
	[tilespmem:s18+$0x0] =	vst.add.f32.msk $0xffff, v0;
	s16 =	spop (v2sf)  }
.Ltmp3:
0xc1: {  	(v2sf) =	vpush v2, $0x8;
	[tilespmem:s15+$0x0] =	vst.add.f32.msk $0xffff, v0;
	s15 =	spop (v2sf);
	(pc) =	sbr.rel @!p0 .LBB2_3-.Ltmp3, $4  }
0xc2: {  	(v2sf) =	vpush v2, $0x3;
	[tilespmem:s16+$0x0] =	vst.add.f32.msk $0xffff, v0;
	s18 =	spop (v2sf)  }
0xc3: {  	(v2sf) =	vpush v2, $0x4;
	[tilespmem:s15+$0x0] =	vst.add.f32.msk $0xffff, v0;
	s16 =	spop (v2sf)  }
0xc4: {  	(v2sf) =	vpush v2, $0x5;
	[tilespmem:s18+$0x0] =	vst.add.f32.msk $0xffff, v0;
	s15 =	spop (v2sf)  }
0xc5: {  	(v2sf) =	vpush v2, $0x7;
	[tilespmem:s11+$0x0] =	vst.add.f32.msk $0xffff, v0;
	s18 =	spop (v2sf);
	s11 =	smov.u32 s19;
	s19 =	smov.u32 s17  }
0xc6: {  	(v2sf) =	vpush v2, $0xE  }
0xc7: {  	[tilespmem:s14+$0x0] =	vst.add.f32.msk $0xffff, v0;
	s23 =	spop (v2sf);
	(v2sf) =	vpush v1, $0xF  }
0xc8: {  	[tilespmem:s23+$0x0] =	vst.add.f32.msk $0xffff, v0;
	(v2sf) =	vpush v1, $0xA;
	s17 =	spop (v2sf)  }
0xc9: {  	[tilespmem:s13+$0x0] =	vst.add.f32.msk $0xffff, v0;
	s24 =	spop (v2sf)  }
0xca: {  	(v2sf) =	vpush v2, $0xD;
	[tilespmem:s12+$0x0] =	vst.add.f32.msk $0xffff, v0;
	s13 =	spop (v2sf)  }
0xcb: {  	(v2sf) =	vpush v2, $0x9;
	[tilespmem:s10+$0x0] =	vst.add.f32.msk $0xffff, v0;
	s12 =	spop (v2sf)  }
0xcc: {  	(v2sf) =	vpush v2, $0xC;
	[tilespmem:s9+$0x0] =	vst.add.f32.msk $0xffff, v0;
	s25 =	spop (v2sf)  }
0xcd: {  	[tilespmem:s18+$0x0] =	vst.add.f32.msk $0xffff, v0;
	s26 =	spop (v2sf);
	(v2sf) =	vpush v2, $0xB  }
0xce: {  	[tilespmem:s25+$0x0] =	vst.add.f32.msk $0xffff, v0;
	s28 =	spop (v2sf);
	(v2sf) =	vpush v2, $0x6  }
0xcf: {  	[tilespmem:s16+$0x0] =	vst.add.f32.msk $0xffff, v0;
	s29 =	spop (v2sf)  }
0xd0: {  	[tilespmem:s11+$0x0] =	vst.add.f32.msk $0xffff, v0;
	s30 =	spop (v2sf)  }
0xd1: {  	[tilespmem:s29+$0x0] =	vst.add.f32.msk $0xffff, v0;
	(v2sf) =	vpush v2, $0xF;
	s31 =	spop (v2sf)  }
0xd2: {  	[tilespmem:s24+$0x0] =	vst.add.f32.msk $0xffff, v0;
	(v2sf) =	vpush v2, $0xA;
	s18 =	spop (v2sf)  }
0xd3: {  	[tilespmem:s28+$0x0] =	vst.add.f32.msk $0xffff, v0;
	s19 =	spop (v2sf)  }
0xd4: {  	[tilespmem:s26+$0x0] =	vst.add.f32.msk $0xffff, v0;
	s20 =	spop (v2sf)  }
0xd5: {  	[tilespmem:s31+$0x0] =	vst.add.f32.msk $0xffff, v0;
	s21 =	spop (v2sf)  }
0xd6: {  	[tilespmem:s18+$0x0] =	vst.add.f32.msk $0xffff, v0;
	s22 =	spop (v2sf)  }
0xd7: {  	[tilespmem:s19+$0x0] =	vst.add.f32.msk $0xffff, v0;
	s23 =	spop (v2sf)  }
0xd8: {  	[tilespmem:s23+$0x0] =	vst.add.f32.msk $0xffff, v0  }
0xd9: {  	s24 =	spop (v2sf);
	[tilespmem:s12+$0x0] =	vst.add.f32.msk $0xffff, v0  }
0xda: {  	s25 =	spop (v2sf);
	[tilespmem:s13+$0x0] =	vst.add.f32.msk $0xffff, v0  }
0xdb: {  	s26 =	spop (v2sf);
	[tilespmem:s17+$0x0] =	vst.add.f32.msk $0xffff, v0  }
0xdc: {  	s28 =	spop (v2sf);
	[tilespmem:s15+$0x0] =	vst.add.f32.msk $0xffff, v0  }
0xdd: {  	s29 =	spop (v2sf);
	[tilespmem:s22+$0x0] =	vst.add.f32.msk $0xffff, v0  }
0xde: {  	[tilespmem:s29+$0x0] =	vst.add.f32.msk $0xffff, v0  }
0xdf: {  	[tilespmem:s20+$0x0] =	vst.add.f32.msk $0xffff, v0  }
0xe0: {  	[tilespmem:s30+$0x0] =	vst.add.f32.msk $0xffff, v0;
	s30 =	spop (v2sf)  }
0xe1: {  	[tilespmem:s25+$0x0] =	vst.add.f32.msk $0xffff, v0;
	s31 =	spop (v2sf)  }
0xe2: {  	[tilespmem:s31+$0x0] =	vst.add.f32.msk $0xffff, v0  }
.Ltmp4:
0xe3: {  	[tilespmem:s28+$0x0] =	vst.add.f32.msk $0xffff, v0;
	(pc) =	sbr.rel .LBB2_8-.Ltmp4, $4  }
0xe4: {  	[tilespmem:s26+$0x0] =	vst.add.f32.msk $0xffff, v0  }
0xe5: {  	[tilespmem:s24+$0x0] =	vst.add.f32.msk $0xffff, v0  }
0xe6: {  	[tilespmem:s21+$0x0] =	vst.add.f32.msk $0xffff, v0  }
0xe7: {  	[tilespmem:s30+$0x0] =	vst.add.f32.msk $0xffff, v0  }
.LBB2_5:
0xe8: {  	_ =	swait.ge [sflag:s8], $0x320  }
0xe9: {  	[sflag:s8] =	ssyncset.done $0x0  }
0xea: {  	s9 =	simm.s32 $0x0;
	[sflag:s8] =	ssyncadd.s32 $0xFFFFFCE0  }
0xeb: {  	v1 =	vld [tilespmem:s9+$0x380];
	_ =	sdelay $0x4  }
0xec: {  	v1 =	vshll.u32 v1, $0x6  }
0xed: {  	v1 =	vshra.s32 v1, $0x2  }
0xee: {  	v2 =	vadd.s32 $0x700, v1  }
0xef: {  	(v2sf) =	vpush v2, $0x2  }
0xf0: {  	(v2sf) =	vpush v2, $0x1  }
0xf1: {  	(v2sf) =	vpush v2, $0x0  }
0xf2: {  	(v2sf) =	vpush v2, $0x8  }
0xf3: {  	(v2sf) =	vpush v2, $0x3  }
0xf4: {  	s23 =	simm.s32 $0x10;
	(v2sf) =	vpush v2, $0x4  }
0xf5: {  	v1 =	vld [tilespmem:s23+$0x380];
	(v2sf) =	vpush v2, $0x5  }
0xf6: {  	(v2sf) =	vpush v2, $0x7  }
0xf7: {  	(v2sf) =	vpush v2, $0xE  }
0xf8: {  	(v2sf) =	vpush v2, $0xD  }
0xf9: {  	(v2sf) =	vpush v2, $0x9  }
0xfa: {  	v1 =	vshll.u32 v1, $0x6;
	(v2sf) =	vpush v2, $0xC  }
0xfb: {  	v1 =	vshra.s32 v1, $0x2;
	(v2sf) =	vpush v2, $0xB  }
0xfc: {  	v1 =	vadd.s32 $0x700, v1;
	(v2sf) =	vpush v2, $0x6  }
0xfd: {  	(v2sf) =	vpush v1, $0x2  }
0xfe: {  	s11 =	spop (v2sf);
	(v2sf) =	vpush v1, $0x1  }
0xff: {  	s12 =	spop (v2sf);
	(v2sf) =	vpush v1, $0x0  }
0x100: {  	s10 =	spop (v2sf);
	(v2sf) =	vpush v1, $0x8  }
0x101: {  	s17 =	spop (v2sf);
	(v2sf) =	vpush v1, $0x3  }
0x102: {  	s13 =	spop (v2sf);
	(v2sf) =	vpush v1, $0x4  }
0x103: {  	s15 =	spop (v2sf);
	(v2sf) =	vpush v1, $0x5  }
0x104: {  	s16 =	spop (v2sf);
	(v2sf) =	vpush v1, $0x7  }
0x105: {  	s14 =	simm.s32 $0x20;
	s18 =	spop (v2sf);
	(v2sf) =	vpush v1, $0xE  }
0x106: {  	v3 =	vld [tilespmem:s14+$0x380];
	s9 =	spop (v2sf);
	(v2sf) =	vpush v2, $0xF  }
0x107: {  	[tilespmem:s10+$0x0] =	vst.add.f32.msk $0xffff, v0;
	s10 =	spop (v2sf)  }
0x108: {  	[tilespmem:s12+$0x0] =	vst.add.f32.msk $0xffff, v0;
	(v2sf) =	vpush v2, $0xA;
	s14 =	spop (v2sf)  }
0x109: {  	[tilespmem:s11+$0x0] =	vst.add.f32.msk $0xffff, v0;
	(v2sf) =	vpush v1, $0xD;
	s12 =	spop (v2sf)  }
0x10a: {  	[tilespmem:s13+$0x0] =	vst.add.f32.msk $0xffff, v0;
	(v2sf) =	vpush v1, $0x9;
	s13 =	spop (v2sf)  }
0x10b: {  	[tilespmem:s15+$0x0] =	vst.add.f32.msk $0xffff, v0;
	v2 =	vshll.u32 v3, $0x6;
	(v2sf) =	vpush v1, $0xC;
	s24 =	spop (v2sf)  }
0x10c: {  	[tilespmem:s16+$0x0] =	vst.add.f32.msk $0xffff, v0;
	v2 =	vshra.s32 v2, $0x2;
	(v2sf) =	vpush v1, $0xB;
	s25 =	spop (v2sf)  }
0x10d: {  	v2 =	vadd.s32 $0x700, v2;
	(v2sf) =	vpush v1, $0x6;
	[tilespmem:s24+$0x0] =	vst.add.f32.msk $0xffff, v0;
	s26 =	spop (v2sf)  }
0x10e: {  	(v2sf) =	vpush v2, $0x2;
	[tilespmem:s18+$0x0] =	vst.add.f32.msk $0xffff, v0;
	s28 =	spop (v2sf)  }
0x10f: {  	(v2sf) =	vpush v2, $0x1;
	[tilespmem:s17+$0x0] =	vst.add.f32.msk $0xffff, v0;
	s11 =	spop (v2sf)  }
0x110: {  	[tilespmem:s28+$0x0] =	vst.add.f32.msk $0xffff, v0;
	(v2sf) =	vpush v2, $0x0;
	s29 =	spop (v2sf)  }
0x111: {  	[tilespmem:s26+$0x0] =	vst.add.f32.msk $0xffff, v0;
	(v2sf) =	vpush v2, $0x8;
	s30 =	spop (v2sf)  }
0x112: {  	[tilespmem:s25+$0x0] =	vst.add.f32.msk $0xffff, v0;
	(v2sf) =	vpush v2, $0x3;
	s31 =	spop (v2sf)  }
0x113: {  	[tilespmem:s29+$0x0] =	vst.add.f32.msk $0xffff, v0;
	(v2sf) =	vpush v2, $0x4;
	s16 =	spop (v2sf)  }
0x114: {  	[tilespmem:s30+$0x0] =	vst.add.f32.msk $0xffff, v0;
	(v2sf) =	vpush v2, $0x5;
	s15 =	spop (v2sf)  }
0x115: {  	s19 =	simm.s32 $0xC0;
	[tilespmem:s31+$0x0] =	vst.add.f32.msk $0xffff, v0;
	(v2sf) =	vpush v2, $0x7;
	s18 =	spop (v2sf)  }
.LBB2_6:
0x116: {  	s17 =	smov.u32 s19  }
0x117: {  	s20 =	sshra.s32 s19, $0x2;
	(v2sf) =	vpush v2, $0xE;
	[tilespmem:s14+$0x0] =	vst.add.f32.msk $0xffff, v0;
	s14 =	spop (v2sf);
	s17 =	sadd.s32 $0x40, s19  }
0x118: {  	p0 =	sne.s32 s19, $0xC40;
	v3 =	vld [tilespmem:s20+$0x380];
	(v2sf) =	vpush v1, $0xF  }
0x119: {  	(v2sf) =	vpush v1, $0xA;
	s19 =	spop (v2sf);
	[tilespmem:s14+$0x0] =	vst.add.f32.msk $0xffff, v0;
	v1 =	vmov v2  }
0x11a: {  	s14 =	spop (v2sf);
	[tilespmem:s13+$0x0] =	vst.add.f32.msk $0xffff, v0  }
0x11b: {  	(v2sf) =	vpush v1, $0xD;
	[tilespmem:s12+$0x0] =	vst.add.f32.msk $0xffff, v0;
	s12 =	spop (v2sf)  }
0x11c: {  	(v2sf) =	vpush v1, $0x9;
	s13 =	spop (v2sf);
	[tilespmem:s10+$0x0] =	vst.add.f32.msk $0xffff, v0;
	s10 =	smov.u32 s19  }
0x11d: {  	v2 =	vshll.u32 v3, $0x6;
	(v2sf) =	vpush v1, $0xC;
	s19 =	spop (v2sf);
	[tilespmem:s9+$0x0] =	vst.add.f32.msk $0xffff, v0;
	s9 =	smov.u32 s15  }
0x11e: {  	v2 =	vshra.s32 v2, $0x2;
	s15 =	spop (v2sf);
	(v2sf) =	vpush v1, $0xB;
	[tilespmem:s18+$0x0] =	vst.add.f32.msk $0xffff, v0  }
0x11f: {  	v2 =	vadd.s32 $0x700, v2;
	s18 =	spop (v2sf);
	(v2sf) =	vpush v1, $0x6;
	[tilespmem:s19+$0x0] =	vst.add.f32.msk $0xffff, v0  }
0x120: {  	(v2sf) =	vpush v2, $0x2;
	s19 =	spop (v2sf);
	[tilespmem:s16+$0x0] =	vst.add.f32.msk $0xffff, v0  }
0x121: {  	(v2sf) =	vpush v2, $0x1;
	[tilespmem:s19+$0x0] =	vst.add.f32.msk $0xffff, v0;
	s19 =	spop (v2sf)  }
0x122: {  	(v2sf) =	vpush v2, $0x0;
	[tilespmem:s18+$0x0] =	vst.add.f32.msk $0xffff, v0;
	s16 =	spop (v2sf)  }
.Ltmp5:
0x123: {  	(v2sf) =	vpush v2, $0x8;
	[tilespmem:s15+$0x0] =	vst.add.f32.msk $0xffff, v0;
	s15 =	spop (v2sf);
	(pc) =	sbr.rel @p0 .LBB2_6-.Ltmp5, $4  }
0x124: {  	(v2sf) =	vpush v2, $0x3;
	[tilespmem:s16+$0x0] =	vst.add.f32.msk $0xffff, v0;
	s18 =	spop (v2sf)  }
0x125: {  	(v2sf) =	vpush v2, $0x4;
	[tilespmem:s15+$0x0] =	vst.add.f32.msk $0xffff, v0;
	s16 =	spop (v2sf)  }
0x126: {  	(v2sf) =	vpush v2, $0x5;
	[tilespmem:s18+$0x0] =	vst.add.f32.msk $0xffff, v0;
	s15 =	spop (v2sf)  }
0x127: {  	(v2sf) =	vpush v2, $0x7;
	[tilespmem:s11+$0x0] =	vst.add.f32.msk $0xffff, v0;
	s18 =	spop (v2sf);
	s11 =	smov.u32 s19;
	s19 =	smov.u32 s17  }
.Ltmp6:
0x128: {  	_ = 	snop;
	(pc) =	sbr.rel .LBB2_7-.Ltmp6, $1  }
0x129: {  	_ =	sdelay $0x3  }
.LBB2_9:
0x12a: {  	s1 =	sshrl.u32 s3, $0x3  }
0x12b: {  	s2 =	sshll.u32 s3, $0x7;
	s1 =	smul.u32 $0x2800, s1  }
0x12c: {  	s2 =	sand.u32 $0x380, s2  }
0x12d: {  	s1 =	sor.u32 s2, s1  }
0x12e: {  	s29 =	simm.s32 $0x80;
	s4 =	simm.s32 $0x400;
	s1 =	sshrl.u32 s1, $0x3  }
0x12f: {  	s30 =	simm.s32 $0x700;
	s31 =	simm.s32 $0x3;
	s1 =	sadd.s32 s5, s1  }
0x130: {  	[hbm4b:s1+s29] =	stream.strided.scatter [tilespmem:s30], [sflag:$0x3], $0x500, s4, s29, $0x38;
	[tilespmem:$0xC00] =	vst v63  }
0x131: {  	_ =	swait.ge [sflag:s31], $0x500  }
0x132: {  	[sflag:s31] =	ssyncset.done $0x0  }
0x133: {  	[sflag:s31] =	ssyncadd.s32 $0xFFFFFB00  }
0x134: {  	_ =	sfence.sel $0x180000  }
0x135: {  	[bflag:$0x0] =	sbarrier.arrive $0xFFFF  }
0x136: {  	p0 =	sne.s32 s3, $0x0;
	_ =	strace $0x90000047  }
0x137: {  	s0 =	sadd.s32 @!p0 $0x100000, s0;
	[bflag:$0x2] =	sbarrier.arrive $0xFFFF  }
0x138: {  	[sflag:s0] =	ssyncadd.tile.s32 @!p0 $0x1;
	_ =	shalt  }
.Lfunc_end2:
_tile_overlayer_lowered:
.L_overlay_start_2:
0x139: {  	(tag) =	ssettag $0x2  }
0x13a: {  	s0 =	rddreg [dreg:$0x0];
	s2 =	stileid.u32  }
0x13b: {  	s1 =	rddreg [dreg:$0x1];
	p0 =	sne.s32 s2, $0x0  }
0x13c: {  	s3 =	rddreg [dreg:$0x2];
	[bflag:$0x3] =	sbarrier.arrive $0xFFFF;
	s2 =	simm.s32 @!p0 $0x1C03  }
0x13d: {  	[timem:s3], [sflag:s2] =	dma.local @!p0 [hbm:s0], s1  }
0x13e: {  	s0 =	simm.s32 @!p0 $0x3  }
0x13f: {  	_ =	swait.ge @!p0 [sflag:s0], s1  }
0x140: {  	s1 =	ssub.s32 @!p0 $0x0, s1;
	[sflag:s0] =	ssyncset.done @!p0 $0x0  }
0x141: {  	[sflag:s0] =	ssyncadd.s32 @!p0 s1  }
0x142: {  	[bflag:$0x3] =	sbarrier.arrive $0xFFFF  }
0x143: {  	_ =	shalt  }

</sc_bundles>
